<compile_context>
chip_gen: v7x
topology: tpu7x:2x2x1
jax: 0.10.2.dev20260603
libtpu: 0.0.44.dev20260713+nightly
codegen_flags: <defaults>
</compile_context>

<pallas_src>
import functools

import jax
import jax.numpy as jnp
from jax import lax
from jax.experimental import pallas as pl
from jax.experimental.pallas import tpu as pltpu
from jax.experimental.pallas import tpu_sc as plsc

B, N1, N2, C1, C2 = 4, 4096, 1024, 128, 256
H1, H2 = 256, 128
IN_CH = C1 + C2
BQ = 1024
BQA = 2048
BQ2 = 2048
NTOT = B * N1
EPS_D = 1e-10
EPS_BN = 1e-5

NW = 32
QPW = (B * N1) // NW
CH = 64
NCH = QPW // CH


def _recip(x):
    r = 1.0 / x
    r = r * (2.0 - x * r)
    r = r * (2.0 - x * r)
    return r


def _rsqrt(x):
    y = jax.lax.rsqrt(x)
    y = y * (1.5 - 0.5 * x * y * y)
    y = y * (1.5 - 0.5 * x * y * y)
    return y


def _stageA_kernel(xyz1t_ref, xyz2t_ref, idx_ref, w_ref):
    b = pl.program_id(0)

    q = xyz1t_ref[0]
    p = xyz2t_ref[0]
    d = (p[0][:, None] - q[0][None, :]) ** 2
    d = d + (p[1][:, None] - q[1][None, :]) ** 2
    d = d + (p[2][:, None] - q[2][None, :]) ** 2
    d = jnp.maximum(d, EPS_D)
    m1 = jnp.min(d, axis=0)
    d1 = jnp.where(d <= m1[None, :], jnp.inf, d)
    m2 = jnp.min(d1, axis=0)
    d2 = jnp.where(d1 <= m2[None, :], jnp.inf, d1)
    m3 = jnp.min(d2, axis=0)
    iota = lax.broadcasted_iota(jnp.int32, (N2, BQ), 0)
    j1 = jnp.min(jnp.where(d == m1[None, :], iota, N2), axis=0)
    j2 = jnp.min(jnp.where(d == m2[None, :], iota, N2), axis=0)
    j3 = jnp.min(jnp.where(d == m3[None, :], iota, N2), axis=0)
    idx_ref[...] = jnp.stack([j1, j2, j3], axis=0) + b * N2
    r1 = _recip(m1)
    r2 = _recip(m2)
    r3 = _recip(m3)
    rs = _recip(r1 + r2 + r3)
    w_ref[...] = jnp.stack([r1 * rs, r2 * rs, r3 * rs], axis=1)


def _sc_gather_kernel(table_ref, idx_ref, w_ref, out_ref,
                      idx0_v, idx1_v, idx2_v, w_v, rows_v, out_v, sem):
    cid = lax.axis_index("c")
    sid = lax.axis_index("s")
    wid = sid * 2 + cid
    base = wid * QPW

    def chunk_body(ch, carry):
        off = base + ch * CH
        pltpu.sync_copy(idx_ref.at[pl.ds(off, CH)], idx0_v)
        pltpu.sync_copy(idx_ref.at[pl.ds(NTOT + off, CH)], idx1_v)
        pltpu.sync_copy(idx_ref.at[pl.ds(2 * NTOT + off, CH)], idx2_v)
        pltpu.sync_copy(w_ref.at[pl.ds(off * 3, 3 * CH)],
                        w_v.at[pl.ds(0, 3 * CH)])
        for k, idxk_v in enumerate((idx0_v, idx1_v, idx2_v)):
            pltpu.async_copy(table_ref.at[idxk_v], rows_v.at[k],
                             sem).wait()

        def q_body(qi, c2):
            wv = w_v[pl.ds(qi * 3, 16)]
            w0 = wv[0]
            w1 = wv[1]
            w2 = wv[2]
            for cc in range(C2 // 16):
                sl = pl.ds(cc * 16, 16)
                v = (w0 * rows_v[0, qi, sl] + w1 * rows_v[1, qi, sl]
                     + w2 * rows_v[2, qi, sl])
                out_v[qi, sl] = v
            return c2

        lax.fori_loop(0, CH, q_body, 0)
        pltpu.sync_copy(out_v, out_ref.at[pl.ds(off, CH)])
        return carry

    lax.fori_loop(0, NCH, chunk_body, 0)


def _stageAp_kernel(p1_ref, interp_ref, W1a_ref, W1b_ref, b1_ref,
                    y1_ref, ssum_ref, ssq_ref):
    b = pl.program_id(0)
    i = pl.program_id(1)

    @pl.when(jnp.logical_and(b == 0, i == 0))
    def _init():
        ssum_ref[...] = jnp.zeros_like(ssum_ref)
        ssq_ref[...] = jnp.zeros_like(ssq_ref)

    y1 = jnp.dot(W1a_ref[...], p1_ref[0], preferred_element_type=jnp.float32)
    y1 = y1 + lax.dot_general(W1b_ref[...], interp_ref[0],
                              (((1,), (1,)), ((), ())),
                              preferred_element_type=jnp.float32)
    y1 = y1 + b1_ref[...]
    y1_ref[0] = y1
    ssum_ref[...] += jnp.sum(y1, axis=1, keepdims=True)
    ssq_ref[...] += jnp.sum(y1 * y1, axis=1, keepdims=True)


def _stage2_kernel(y1_ref, W2_ref, g1_ref, be1_ref, b2_ref, s_ref, sq_ref,
                   y2_ref, ssum_ref, ssq_ref):
    b = pl.program_id(0)
    i = pl.program_id(1)

    @pl.when(jnp.logical_and(b == 0, i == 0))
    def _init():
        ssum_ref[...] = jnp.zeros_like(ssum_ref)
        ssq_ref[...] = jnp.zeros_like(ssq_ref)

    mean = s_ref[...] * (1.0 / NTOT)
    var = sq_ref[...] * (1.0 / NTOT) - mean * mean
    scale = g1_ref[...] * _rsqrt(var + EPS_BN)
    h = (y1_ref[0] - mean) * scale + be1_ref[...]
    h = jnp.maximum(h, 0.0)
    y2 = jnp.dot(W2_ref[...], h, preferred_element_type=jnp.float32)
    y2 = y2 + b2_ref[...]
    y2_ref[0] = y2
    ssum_ref[...] += jnp.sum(y2, axis=1, keepdims=True)
    ssq_ref[...] += jnp.sum(y2 * y2, axis=1, keepdims=True)


def _stage3_kernel(y2_ref, g2_ref, be2_ref, s_ref, sq_ref, out_ref):
    mean = s_ref[...] * (1.0 / NTOT)
    var = sq_ref[...] * (1.0 / NTOT) - mean * mean
    scale = g2_ref[...] * _rsqrt(var + EPS_BN)
    o = (y2_ref[0] - mean) * scale + be2_ref[...]
    out_ref[0] = jnp.maximum(o, 0.0)


def _fp_impl(xyz1, xyz2, points1, points2, W1, b1, g1, be1, W2, b2, g2, be2,
             interpret=False):
    xyz1t = jnp.transpose(xyz1, (0, 2, 1))
    xyz2t = jnp.transpose(xyz2, (0, 2, 1))
    table = jnp.transpose(points2, (0, 2, 1)).reshape(B * N2, C2)
    W1a = W1[:, :C1]
    W1b = W1[:, C1:]
    b1c = b1[:, None]
    g1c = g1[:, None]
    be1c = be1[:, None]
    b2c = b2[:, None]
    g2c = g2[:, None]
    be2c = be2[:, None]

    f32 = jnp.float32
    idxg, wt = pl.pallas_call(
        _stageA_kernel,
        grid=(B, N1 // BQ),
        in_specs=[
            pl.BlockSpec((1, 3, BQ), lambda b, i: (b, 0, i)),
            pl.BlockSpec((1, 3, N2), lambda b, i: (b, 0, 0)),
        ],
        out_specs=[
            pl.BlockSpec((3, BQ), lambda b, i: (0, b * (N1 // BQ) + i)),
            pl.BlockSpec((BQ, 3), lambda b, i: (b * (N1 // BQ) + i, 0)),
        ],
        out_shape=[
            jax.ShapeDtypeStruct((3, B * N1), jnp.int32),
            jax.ShapeDtypeStruct((B * N1, 3), f32),
        ],
        interpret=interpret,
    )(xyz1t, xyz2t)

    sc_gather = functools.partial(
        pl.kernel,
        _sc_gather_kernel,
        out_type=jax.ShapeDtypeStruct((B * N1, C2), f32),
        mesh=plsc.VectorSubcoreMesh(core_axis_name="c", subcore_axis_name="s"),
        scratch_types=[
            pltpu.VMEM((CH,), jnp.int32),
            pltpu.VMEM((CH,), jnp.int32),
            pltpu.VMEM((CH,), jnp.int32),
            pltpu.VMEM((3 * CH + 16,), f32),
            pltpu.VMEM((3, CH, C2), f32),
            pltpu.VMEM((CH, C2), f32),
            pltpu.SemaphoreType.DMA,
        ],
    )
    interp = sc_gather()(table, idxg.reshape(3 * B * N1),
                         wt.reshape(B * N1 * 3))
    interp = interp.reshape(B, N1, C2)

    y1, s1, q1 = pl.pallas_call(
        _stageAp_kernel,
        grid=(B, N1 // BQA),
        in_specs=[
            pl.BlockSpec((1, C1, BQA), lambda b, i: (b, 0, i)),
            pl.BlockSpec((1, BQA, C2), lambda b, i: (b, i, 0)),
            pl.BlockSpec((H1, C1), lambda b, i: (0, 0)),
            pl.BlockSpec((H1, C2), lambda b, i: (0, 0)),
            pl.BlockSpec((H1, 1), lambda b, i: (0, 0)),
        ],
        out_specs=[
            pl.BlockSpec((1, H1, BQA), lambda b, i: (b, 0, i)),
            pl.BlockSpec((H1, 1), lambda b, i: (0, 0)),
            pl.BlockSpec((H1, 1), lambda b, i: (0, 0)),
        ],
        out_shape=[
            jax.ShapeDtypeStruct((B, H1, N1), f32),
            jax.ShapeDtypeStruct((H1, 1), f32),
            jax.ShapeDtypeStruct((H1, 1), f32),
        ],
        interpret=interpret,
    )(points1, interp, W1a, W1b, b1c)

    y2, s2, q2 = pl.pallas_call(
        _stage2_kernel,
        grid=(B, N1 // BQ2),
        in_specs=[
            pl.BlockSpec((1, H1, BQ2), lambda b, i: (b, 0, i)),
            pl.BlockSpec((H2, H1), lambda b, i: (0, 0)),
            pl.BlockSpec((H1, 1), lambda b, i: (0, 0)),
            pl.BlockSpec((H1, 1), lambda b, i: (0, 0)),
            pl.BlockSpec((H2, 1), lambda b, i: (0, 0)),
            pl.BlockSpec((H1, 1), lambda b, i: (0, 0)),
            pl.BlockSpec((H1, 1), lambda b, i: (0, 0)),
        ],
        out_specs=[
            pl.BlockSpec((1, H2, BQ2), lambda b, i: (b, 0, i)),
            pl.BlockSpec((H2, 1), lambda b, i: (0, 0)),
            pl.BlockSpec((H2, 1), lambda b, i: (0, 0)),
        ],
        out_shape=[
            jax.ShapeDtypeStruct((B, H2, N1), f32),
            jax.ShapeDtypeStruct((H2, 1), f32),
            jax.ShapeDtypeStruct((H2, 1), f32),
        ],
        interpret=interpret,
    )(y1, W2, g1c, be1c, b2c, s1, q1)

    out = pl.pallas_call(
        _stage3_kernel,
        grid=(B, N1 // BQ2),
        in_specs=[
            pl.BlockSpec((1, H2, BQ2), lambda b, i: (b, 0, i)),
            pl.BlockSpec((H2, 1), lambda b, i: (0, 0)),
            pl.BlockSpec((H2, 1), lambda b, i: (0, 0)),
            pl.BlockSpec((H2, 1), lambda b, i: (0, 0)),
            pl.BlockSpec((H2, 1), lambda b, i: (0, 0)),
        ],
        out_specs=pl.BlockSpec((1, H2, BQ2), lambda b, i: (b, 0, i)),
        out_shape=jax.ShapeDtypeStruct((B, H2, N1), f32),
        interpret=interpret,
    )(y2, g2c, be2c, s2, q2)
    return out


def kernel(xyz1, xyz2, points1, points2, W1, b1, g1, be1, W2, b2, g2, be2):
    return _fp_impl(xyz1, xyz2, points1, points2, W1, b1, g1, be1,
                    W2, b2, g2, be2)

# --- scband reference (transcript-rebuilt; emitter-appended) ---
"""Pipeline reference for scband-feature-propagation-54795192762554 (READ-ONLY COPY).

The authoritative reference and input builder live on the scoring server;
editing this copy changes nothing except your own understanding.
"""

import jax, jax.numpy as jnp
import numpy as np

B, N1, N2, C1, C2 = 4, 4096, 1024, 128, 256
MLP = [256, 128]
IN_CH = C1 + C2


def setup_inputs(seed: int = 0) -> dict:
    key = jax.random.key(seed)
    ks = jax.random.split(key, 8)
    inp = {}
    inp["xyz1"] = jax.random.uniform(ks[0], (B, N1, 3), dtype=jnp.float32)
    inp["xyz2"] = jax.random.uniform(ks[1], (B, N2, 3), dtype=jnp.float32)
    inp["points1"] = jax.random.normal(ks[2], (B, C1, N1), dtype=jnp.float32)
    inp["points2"] = jax.random.normal(ks[3], (B, C2, N2), dtype=jnp.float32)
    inp["W1"] = jax.random.normal(ks[4], (MLP[0], IN_CH), dtype=jnp.float32) * 0.05
    inp["b1"] = jnp.zeros((MLP[0],), dtype=jnp.float32)
    inp["g1"] = jnp.ones((MLP[0],), dtype=jnp.float32)
    inp["be1"] = jnp.zeros((MLP[0],), dtype=jnp.float32)
    inp["W2"] = jax.random.normal(ks[5], (MLP[1], MLP[0]), dtype=jnp.float32) * 0.05
    inp["b2"] = jnp.zeros((MLP[1],), dtype=jnp.float32)
    inp["g2"] = jnp.ones((MLP[1],), dtype=jnp.float32)
    inp["be2"] = jnp.zeros((MLP[1],), dtype=jnp.float32)
    return inp


def _feature_propagation(xyz1, xyz2, points1, points2, W1, b1, g1, be1, W2, b2, g2, be2):
    # pairwise squared distances [B, N1, N2]
    dists = jnp.sum((xyz1[:, :, None, :] - xyz2[:, None, :, :]) ** 2, axis=-1)
    dists = jnp.maximum(dists, 1e-10)
    k = 3
    # smallest-k via top_k on negated distances
    neg_vals, idx = jax.lax.top_k(-dists, k)
    dist = -neg_vals  # [B, N1, k]
    weights = 1.0 / dist
    weights = weights / jnp.sum(weights, axis=2, keepdims=True)
    # gather neighbor features: points2 [B, C2, N2] -> [B, N2, C2]
    p2t = jnp.transpose(points2, (0, 2, 1))
    gathered = p2t[jnp.arange(p2t.shape[0])[:, None, None], idx]  # [B, N1, k, C2]
    interpolated = jnp.sum(gathered * weights[..., None], axis=2)  # [B, N1, C2]
    interpolated = jnp.transpose(interpolated, (0, 2, 1))  # [B, C2, N1]
    x = jnp.concatenate([points1, interpolated], axis=1)  # [B, C1+C2, N1]
    # MLP: Conv1d(kernel=1) -> BatchNorm1d (train-mode batch stats) -> ReLU
    for W, b, g, be in ((W1, b1, g1, be1), (W2, b2, g2, be2)):
        x = jnp.einsum('oc,bcn->bon', W, x) + b[None, :, None]
        mean = jnp.mean(x, axis=(0, 2), keepdims=True)
        var = jnp.var(x, axis=(0, 2), keepdims=True)
        x = g[None, :, None] * (x - mean) / jnp.sqrt(var + 1e-5) + be[None, :, None]
        x = jax.nn.relu(x)
    return x


def reference(xyz1, xyz2, points1, points2, W1, b1, g1, be1, W2, b2, g2, be2):
    return _feature_propagation(xyz1, xyz2, points1, points2, W1, b1, g1, be1, W2, b2, g2, be2)

if __name__ == "__main__":
    import jax
    _d = setup_inputs()
    print(jax.jit(kernel)(*tuple(_d.values())))

</pallas_src>

<mosaic_0001>
#map = affine_map<(d0, d1) -> (0, 0)>
#map1 = affine_map<(d0, d1) -> (0)>
module attributes {stable_mosaic.version = 14 : i64} {
  func.func @_sc_gather_kernel(%arg0: i32, %arg1: i32, %arg2: memref<4096x256xf32, #tpu.memory_space<hbm>>, %arg3: memref<49152xi32, #tpu.memory_space<hbm>>, %arg4: memref<49152xf32, #tpu.memory_space<hbm>>, %arg5: memref<16384x256xf32, #tpu.memory_space<hbm>>, %arg6: memref<64xi32, #tpu.memory_space<vmem>>, %arg7: memref<64xi32, #tpu.memory_space<vmem>>, %arg8: memref<64xi32, #tpu.memory_space<vmem>>, %arg9: memref<208xf32, #tpu.memory_space<vmem>>, %arg10: memref<3x64x256xf32, #tpu.memory_space<vmem>>, %arg11: memref<64x256xf32, #tpu.memory_space<vmem>>, %arg12: memref<!tpu.dma_semaphore, #tpu.memory_space<semaphore_mem>>) attributes {dimension_semantics = [#tpu.dimension_semantics<core_parallel>, #tpu.dimension_semantics<subcore_parallel>], iteration_bounds = array<i64: 2, 16>, scalar_prefetch = 0 : i64, scratch_operands = 7 : i64, tpu.core_type = #tpu.core_type<sc_vector_subcore>, window_params = [{transform_indices = #map}, {transform_indices = #map1}, {transform_indices = #map1}, {transform_indices = #map}]} {
    %mul3A = arith.constant 2 : i32
    %mul3A_0 = arith.muli %arg1, %mul3A : i32
    %add3A = arith.addi %mul3A_0, %arg0 : i32
    %mul3A_1 = arith.constant 512 : i32
    %mul3A_2 = arith.muli %add3A, %mul3A_1 : i32
    %scan3A = arith.constant 0 : i32
    %scan3A_3 = arith.constant 0 : i32
    %scan3A_4 = arith.constant 8 : i32
    %scan3A_5 = arith.addi %scan3A_3, %scan3A_4 : i32
    %scan3A_6 = arith.constant 1 : i32
    scf.for %scan3A_8 = %scan3A_3 to %scan3A_5 step %scan3A_6  : i32 {
      %mul3A_9 = arith.constant 64 : i32
      %mul3A_10 = arith.muli %scan3A_8, %mul3A_9 : i32
      %add3A_11 = arith.addi %mul3A_2, %mul3A_10 : i32
      "tpu.region"() ({
        %run_scoped3A = tpu.sem_alloc : memref<!tpu.dma_semaphore, #tpu.memory_space<semaphore_mem>>
        %dma_start3A_70 = tpu.memref_slice %arg3[%add3A_11] : memref<49152xi32, #tpu.memory_space<hbm>> -> memref<64xi32, #tpu.memory_space<hbm>>
        %dma_start3A_71 = tpu.memref_slice %arg3[%add3A_11] : memref<49152xi32, #tpu.memory_space<hbm>> -> memref<64xi32, #tpu.memory_space<hbm>>
        tpu.enqueue_dma source(%dma_start3A_71 : memref<64xi32, #tpu.memory_space<hbm>>) target(%arg6 : memref<64xi32, #tpu.memory_space<vmem>>) target_semaphore(%run_scoped3A : memref<!tpu.dma_semaphore, #tpu.memory_space<semaphore_mem>>)
        %dma_wait3A_72 = tpu.memref_slice %arg3[%add3A_11] : memref<49152xi32, #tpu.memory_space<hbm>> -> memref<64xi32, #tpu.memory_space<hbm>>
        %dma_wait3A_73 = tpu.memref_slice %arg3[%add3A_11] : memref<49152xi32, #tpu.memory_space<hbm>> -> memref<64xi32, #tpu.memory_space<hbm>>
        tpu.wait_dma2 semaphore(%run_scoped3A : memref<!tpu.dma_semaphore, #tpu.memory_space<semaphore_mem>>) src(%dma_wait3A_73 : memref<64xi32, #tpu.memory_space<hbm>>) dst(%arg6 : memref<64xi32, #tpu.memory_space<vmem>>)
        tpu.yield
      }) : () -> ()
      %add3A_12 = arith.constant 16384 : i32
      %add3A_13 = arith.addi %add3A_12, %add3A_11 : i32
      "tpu.region"() ({
        %run_scoped3A = tpu.sem_alloc : memref<!tpu.dma_semaphore, #tpu.memory_space<semaphore_mem>>
        %dma_start3A_70 = tpu.memref_slice %arg3[%add3A_13] : memref<49152xi32, #tpu.memory_space<hbm>> -> memref<64xi32, #tpu.memory_space<hbm>>
        %dma_start3A_71 = tpu.memref_slice %arg3[%add3A_13] : memref<49152xi32, #tpu.memory_space<hbm>> -> memref<64xi32, #tpu.memory_space<hbm>>
        tpu.enqueue_dma source(%dma_start3A_71 : memref<64xi32, #tpu.memory_space<hbm>>) target(%arg7 : memref<64xi32, #tpu.memory_space<vmem>>) target_semaphore(%run_scoped3A : memref<!tpu.dma_semaphore, #tpu.memory_space<semaphore_mem>>)
        %dma_wait3A_72 = tpu.memref_slice %arg3[%add3A_13] : memref<49152xi32, #tpu.memory_space<hbm>> -> memref<64xi32, #tpu.memory_space<hbm>>
        %dma_wait3A_73 = tpu.memref_slice %arg3[%add3A_13] : memref<49152xi32, #tpu.memory_space<hbm>> -> memref<64xi32, #tpu.memory_space<hbm>>
        tpu.wait_dma2 semaphore(%run_scoped3A : memref<!tpu.dma_semaphore, #tpu.memory_space<semaphore_mem>>) src(%dma_wait3A_73 : memref<64xi32, #tpu.memory_space<hbm>>) dst(%arg7 : memref<64xi32, #tpu.memory_space<vmem>>)
        tpu.yield
      }) : () -> ()
      %add3A_14 = arith.constant 32768 : i32
      %add3A_15 = arith.addi %add3A_14, %add3A_11 : i32
      "tpu.region"() ({
        %run_scoped3A = tpu.sem_alloc : memref<!tpu.dma_semaphore, #tpu.memory_space<semaphore_mem>>
        %dma_start3A_70 = tpu.memref_slice %arg3[%add3A_15] : memref<49152xi32, #tpu.memory_space<hbm>> -> memref<64xi32, #tpu.memory_space<hbm>>
        %dma_start3A_71 = tpu.memref_slice %arg3[%add3A_15] : memref<49152xi32, #tpu.memory_space<hbm>> -> memref<64xi32, #tpu.memory_space<hbm>>
        tpu.enqueue_dma source(%dma_start3A_71 : memref<64xi32, #tpu.memory_space<hbm>>) target(%arg8 : memref<64xi32, #tpu.memory_space<vmem>>) target_semaphore(%run_scoped3A : memref<!tpu.dma_semaphore, #tpu.memory_space<semaphore_mem>>)
        %dma_wait3A_72 = tpu.memref_slice %arg3[%add3A_15] : memref<49152xi32, #tpu.memory_space<hbm>> -> memref<64xi32, #tpu.memory_space<hbm>>
        %dma_wait3A_73 = tpu.memref_slice %arg3[%add3A_15] : memref<49152xi32, #tpu.memory_space<hbm>> -> memref<64xi32, #tpu.memory_space<hbm>>
        tpu.wait_dma2 semaphore(%run_scoped3A : memref<!tpu.dma_semaphore, #tpu.memory_space<semaphore_mem>>) src(%dma_wait3A_73 : memref<64xi32, #tpu.memory_space<hbm>>) dst(%arg8 : memref<64xi32, #tpu.memory_space<vmem>>)
        tpu.yield
      }) : () -> ()
      %mul3A_16 = arith.constant 3 : i32
      %mul3A_17 = arith.muli %add3A_11, %mul3A_16 : i32
      "tpu.region"() ({
        %run_scoped3A = tpu.sem_alloc : memref<!tpu.dma_semaphore, #tpu.memory_space<semaphore_mem>>
        %dma_start3A_70 = arith.constant 0 : i32
        %dma_start3A_71 = tpu.memref_slice %arg9[%dma_start3A_70] : memref<208xf32, #tpu.memory_space<vmem>> -> memref<192xf32, #tpu.memory_space<vmem>>
        %dma_start3A_72 = tpu.memref_slice %arg4[%mul3A_17] : memref<49152xf32, #tpu.memory_space<hbm>> -> memref<192xf32, #tpu.memory_space<hbm>>
        %dma_start3A_73 = arith.constant 0 : i32
        %dma_start3A_74 = tpu.memref_slice %arg9[%dma_start3A_73] : memref<208xf32, #tpu.memory_space<vmem>> -> memref<192xf32, #tpu.memory_space<vmem>>
        %dma_start3A_75 = tpu.memref_slice %arg4[%mul3A_17] : memref<49152xf32, #tpu.memory_space<hbm>> -> memref<192xf32, #tpu.memory_space<hbm>>
        tpu.enqueue_dma source(%dma_start3A_75 : memref<192xf32, #tpu.memory_space<hbm>>) target(%dma_start3A_74 : memref<192xf32, #tpu.memory_space<vmem>>) target_semaphore(%run_scoped3A : memref<!tpu.dma_semaphore, #tpu.memory_space<semaphore_mem>>)
        %dma_wait3A_76 = arith.constant 0 : i32
        %dma_wait3A_77 = tpu.memref_slice %arg9[%dma_wait3A_76] : memref<208xf32, #tpu.memory_space<vmem>> -> memref<192xf32, #tpu.memory_space<vmem>>
        %dma_wait3A_78 = tpu.memref_slice %arg4[%mul3A_17] : memref<49152xf32, #tpu.memory_space<hbm>> -> memref<192xf32, #tpu.memory_space<hbm>>
        %dma_wait3A_79 = arith.constant 0 : i32
        %dma_wait3A_80 = tpu.memref_slice %arg9[%dma_wait3A_79] : memref<208xf32, #tpu.memory_space<vmem>> -> memref<192xf32, #tpu.memory_space<vmem>>
        %dma_wait3A_81 = tpu.memref_slice %arg4[%mul3A_17] : memref<49152xf32, #tpu.memory_space<hbm>> -> memref<192xf32, #tpu.memory_space<hbm>>
        tpu.wait_dma2 semaphore(%run_scoped3A : memref<!tpu.dma_semaphore, #tpu.memory_space<semaphore_mem>>) src(%dma_wait3A_81 : memref<192xf32, #tpu.memory_space<hbm>>) dst(%dma_wait3A_80 : memref<192xf32, #tpu.memory_space<vmem>>)
        tpu.yield
      }) : () -> ()
      %dma_start3A = arith.constant 0 : i32
      %dma_start3A_18 = arith.constant 0 : i32
      %dma_start3A_19 = arith.constant 0 : i32
      %dma_start3A_20 = tpu.memref_slice %arg10[%dma_start3A, %dma_start3A_18, %dma_start3A_19] : memref<3x64x256xf32, #tpu.memory_space<vmem>> -> memref<1x64x256xf32, #tpu.memory_space<vmem>>
      %dma_start3A_21 = tpu.memref_squeeze %dma_start3A_20 : memref<1x64x256xf32, #tpu.memory_space<vmem>> -> memref<64x256xf32, #tpu.memory_space<vmem>>
      %dma_start3A_22 = arith.constant 0 : i32
      %dma_start3A_23 = arith.constant 0 : i32
      %dma_start3A_24 = tpu.memref_slice %arg2[%dma_start3A_22, %dma_start3A_23] : memref<4096x256xf32, #tpu.memory_space<hbm>> -> memref<4096x256xf32, #tpu.memory_space<hbm>>
      tpu.enqueue_indirect_dma source(%dma_start3A_24 : memref<4096x256xf32, #tpu.memory_space<hbm>>) target(%dma_start3A_21 : memref<64x256xf32, #tpu.memory_space<vmem>>) offsets(%arg6 : memref<64xi32, #tpu.memory_space<vmem>>) semaphore(%arg12 : memref<!tpu.dma_semaphore, #tpu.memory_space<semaphore_mem>>)
      %dma_wait3A = arith.constant 0 : i32
      %dma_wait3A_25 = arith.constant 0 : i32
      %dma_wait3A_26 = arith.constant 0 : i32
      %dma_wait3A_27 = tpu.memref_slice %arg10[%dma_wait3A, %dma_wait3A_25, %dma_wait3A_26] : memref<3x64x256xf32, #tpu.memory_space<vmem>> -> memref<1x64x256xf32, #tpu.memory_space<vmem>>
      %dma_wait3A_28 = tpu.memref_squeeze %dma_wait3A_27 : memref<1x64x256xf32, #tpu.memory_space<vmem>> -> memref<64x256xf32, #tpu.memory_space<vmem>>
      %dma_wait3A_29 = arith.constant 0 : i32
      %dma_wait3A_30 = arith.constant 0 : i32
      %dma_wait3A_31 = tpu.memref_slice %arg2[%dma_wait3A_29, %dma_wait3A_30] : memref<4096x256xf32, #tpu.memory_space<hbm>> -> memref<4096x256xf32, #tpu.memory_space<hbm>>
      tpu.wait_indirect_dma semaphore(%arg12 : memref<!tpu.dma_semaphore, #tpu.memory_space<semaphore_mem>>) src(%dma_wait3A_31 : memref<4096x256xf32, #tpu.memory_space<hbm>>) dst(%dma_wait3A_28 : memref<64x256xf32, #tpu.memory_space<vmem>>)
      %dma_start3A_32 = arith.constant 1 : i32
      %dma_start3A_33 = arith.constant 0 : i32
      %dma_start3A_34 = arith.constant 0 : i32
      %dma_start3A_35 = tpu.memref_slice %arg10[%dma_start3A_32, %dma_start3A_33, %dma_start3A_34] : memref<3x64x256xf32, #tpu.memory_space<vmem>> -> memref<1x64x256xf32, #tpu.memory_space<vmem>>
      %dma_start3A_36 = tpu.memref_squeeze %dma_start3A_35 : memref<1x64x256xf32, #tpu.memory_space<vmem>> -> memref<64x256xf32, #tpu.memory_space<vmem>>
      %dma_start3A_37 = arith.constant 0 : i32
      %dma_start3A_38 = arith.constant 0 : i32
      %dma_start3A_39 = tpu.memref_slice %arg2[%dma_start3A_37, %dma_start3A_38] : memref<4096x256xf32, #tpu.memory_space<hbm>> -> memref<4096x256xf32, #tpu.memory_space<hbm>>
      tpu.enqueue_indirect_dma source(%dma_start3A_39 : memref<4096x256xf32, #tpu.memory_space<hbm>>) target(%dma_start3A_36 : memref<64x256xf32, #tpu.memory_space<vmem>>) offsets(%arg7 : memref<64xi32, #tpu.memory_space<vmem>>) semaphore(%arg12 : memref<!tpu.dma_semaphore, #tpu.memory_space<semaphore_mem>>)
      %dma_wait3A_40 = arith.constant 1 : i32
      %dma_wait3A_41 = arith.constant 0 : i32
      %dma_wait3A_42 = arith.constant 0 : i32
      %dma_wait3A_43 = tpu.memref_slice %arg10[%dma_wait3A_40, %dma_wait3A_41, %dma_wait3A_42] : memref<3x64x256xf32, #tpu.memory_space<vmem>> -> memref<1x64x256xf32, #tpu.memory_space<vmem>>
      %dma_wait3A_44 = tpu.memref_squeeze %dma_wait3A_43 : memref<1x64x256xf32, #tpu.memory_space<vmem>> -> memref<64x256xf32, #tpu.memory_space<vmem>>
      %dma_wait3A_45 = arith.constant 0 : i32
      %dma_wait3A_46 = arith.constant 0 : i32
      %dma_wait3A_47 = tpu.memref_slice %arg2[%dma_wait3A_45, %dma_wait3A_46] : memref<4096x256xf32, #tpu.memory_space<hbm>> -> memref<4096x256xf32, #tpu.memory_space<hbm>>
      tpu.wait_indirect_dma semaphore(%arg12 : memref<!tpu.dma_semaphore, #tpu.memory_space<semaphore_mem>>) src(%dma_wait3A_47 : memref<4096x256xf32, #tpu.memory_space<hbm>>) dst(%dma_wait3A_44 : memref<64x256xf32, #tpu.memory_space<vmem>>)
      %dma_start3A_48 = arith.constant 2 : i32
      %dma_start3A_49 = arith.constant 0 : i32
      %dma_start3A_50 = arith.constant 0 : i32
      %dma_start3A_51 = tpu.memref_slice %arg10[%dma_start3A_48, %dma_start3A_49, %dma_start3A_50] : memref<3x64x256xf32, #tpu.memory_space<vmem>> -> memref<1x64x256xf32, #tpu.memory_space<vmem>>
      %dma_start3A_52 = tpu.memref_squeeze %dma_start3A_51 : memref<1x64x256xf32, #tpu.memory_space<vmem>> -> memref<64x256xf32, #tpu.memory_space<vmem>>
      %dma_start3A_53 = arith.constant 0 : i32
      %dma_start3A_54 = arith.constant 0 : i32
      %dma_start3A_55 = tpu.memref_slice %arg2[%dma_start3A_53, %dma_start3A_54] : memref<4096x256xf32, #tpu.memory_space<hbm>> -> memref<4096x256xf32, #tpu.memory_space<hbm>>
      tpu.enqueue_indirect_dma source(%dma_start3A_55 : memref<4096x256xf32, #tpu.memory_space<hbm>>) target(%dma_start3A_52 : memref<64x256xf32, #tpu.memory_space<vmem>>) offsets(%arg8 : memref<64xi32, #tpu.memory_space<vmem>>) semaphore(%arg12 : memref<!tpu.dma_semaphore, #tpu.memory_space<semaphore_mem>>)
      %dma_wait3A_56 = arith.constant 2 : i32
      %dma_wait3A_57 = arith.constant 0 : i32
      %dma_wait3A_58 = arith.constant 0 : i32
      %dma_wait3A_59 = tpu.memref_slice %arg10[%dma_wait3A_56, %dma_wait3A_57, %dma_wait3A_58] : memref<3x64x256xf32, #tpu.memory_space<vmem>> -> memref<1x64x256xf32, #tpu.memory_space<vmem>>
      %dma_wait3A_60 = tpu.memref_squeeze %dma_wait3A_59 : memref<1x64x256xf32, #tpu.memory_space<vmem>> -> memref<64x256xf32, #tpu.memory_space<vmem>>
      %dma_wait3A_61 = arith.constant 0 : i32
      %dma_wait3A_62 = arith.constant 0 : i32
      %dma_wait3A_63 = tpu.memref_slice %arg2[%dma_wait3A_61, %dma_wait3A_62] : memref<4096x256xf32, #tpu.memory_space<hbm>> -> memref<4096x256xf32, #tpu.memory_space<hbm>>
      tpu.wait_indirect_dma semaphore(%arg12 : memref<!tpu.dma_semaphore, #tpu.memory_space<semaphore_mem>>) src(%dma_wait3A_63 : memref<4096x256xf32, #tpu.memory_space<hbm>>) dst(%dma_wait3A_60 : memref<64x256xf32, #tpu.memory_space<vmem>>)
      %scan3A_64 = arith.constant 0 : i32
      %scan3A_65 = arith.constant 0 : i32
      %scan3A_66 = arith.constant 64 : i32
      %scan3A_67 = arith.addi %scan3A_65, %scan3A_66 : i32
      %scan3A_68 = arith.constant 1 : i32
      scf.for %scan3A_70 = %scan3A_65 to %scan3A_67 step %scan3A_68  : i32 {
        %mul3A_71 = arith.constant 3 : i32
        %mul3A_72 = arith.muli %scan3A_70, %mul3A_71 : i32
        %get3A = arith.index_cast %mul3A_72 : i32 to index
        %get3A_73 = tpu.vector_load %arg9[%get3A] {strides = array<i32>} : memref<208xf32, #tpu.memory_space<vmem>>, vector<16xf32>,
        %get3A_74 = vector.shape_cast %get3A_73 : vector<16xf32> to vector<16xf32>
        %slice3A = vector.extract_strided_slice %get3A_74 {offsets = [0], sizes = [1], strides = [1]} : vector<16xf32> to vector<1xf32>
        %squeeze3A = vector.extract %slice3A[0] : f32 from vector<1xf32>
        %slice3A_75 = vector.extract_strided_slice %get3A_74 {offsets = [1], sizes = [1], strides = [1]} : vector<16xf32> to vector<1xf32>
        %squeeze3A_76 = vector.extract %slice3A_75[0] : f32 from vector<1xf32>
        %slice3A_77 = vector.extract_strided_slice %get3A_74 {offsets = [2], sizes = [1], strides = [1]} : vector<16xf32> to vector<1xf32>
        %squeeze3A_78 = vector.extract %slice3A_77[0] : f32 from vector<1xf32>
        %get3A_79 = arith.constant 0 : i32
        %get3A_80 = arith.index_cast %get3A_79 : i32 to index
        %get3A_81 = arith.index_cast %scan3A_70 : i32 to index
        %get3A_82 = arith.constant 0 : index
        %get3A_83 = tpu.vector_load %arg10[%get3A_80, %get3A_81, %get3A_82] {strides = array<i32>} : memref<3x64x256xf32, #tpu.memory_space<vmem>>, vector<1x1x16xf32>,
        %get3A_84 = vector.shape_cast %get3A_83 : vector<1x1x16xf32> to vector<16xf32>
        %mul3A_85 = vector.broadcast %squeeze3A : f32 to vector<16xf32>
        %mul3A_86 = arith.mulf %mul3A_85, %get3A_84 : vector<16xf32>
        %get3A_87 = arith.constant 1 : i32
        %get3A_88 = arith.index_cast %get3A_87 : i32 to index
        %get3A_89 = arith.index_cast %scan3A_70 : i32 to index
        %get3A_90 = arith.constant 0 : index
        %get3A_91 = tpu.vector_load %arg10[%get3A_88, %get3A_89, %get3A_90] {strides = array<i32>} : memref<3x64x256xf32, #tpu.memory_space<vmem>>, vector<1x1x16xf32>,
        %get3A_92 = vector.shape_cast %get3A_91 : vector<1x1x16xf32> to vector<16xf32>
        %mul3A_93 = vector.broadcast %squeeze3A_76 : f32 to vector<16xf32>
        %mul3A_94 = arith.mulf %mul3A_93, %get3A_92 : vector<16xf32>
        %add3A_95 = arith.addf %mul3A_86, %mul3A_94 : vector<16xf32>
        %get3A_96 = arith.constant 2 : i32
        %get3A_97 = arith.index_cast %get3A_96 : i32 to index
        %get3A_98 = arith.index_cast %scan3A_70 : i32 to index
        %get3A_99 = arith.constant 0 : index
        %get3A_100 = tpu.vector_load %arg10[%get3A_97, %get3A_98, %get3A_99] {strides = array<i32>} : memref<3x64x256xf32, #tpu.memory_space<vmem>>, vector<1x1x16xf32>,
        %get3A_101 = vector.shape_cast %get3A_100 : vector<1x1x16xf32> to vector<16xf32>
        %mul3A_102 = vector.broadcast %squeeze3A_78 : f32 to vector<16xf32>
        %mul3A_103 = arith.mulf %mul3A_102, %get3A_101 : vector<16xf32>
        %add3A_104 = arith.addf %add3A_95, %mul3A_103 : vector<16xf32>
        %swap3A = arith.index_cast %scan3A_70 : i32 to index
        %swap3A_105 = arith.constant 0 : index
        %swap3A_106 = tpu.vector_load %arg11[%swap3A, %swap3A_105] {strides = array<i32>} : memref<64x256xf32, #tpu.memory_space<vmem>>, vector<1x16xf32>,
        %swap3A_107 = vector.shape_cast %swap3A_106 : vector<1x16xf32> to vector<16xf32>
        %swap3A_108 = vector.shape_cast %add3A_104 : vector<16xf32> to vector<1x16xf32>
        tpu.vector_store %arg11[%swap3A, %swap3A_105], %swap3A_108 {strides = array<i32>} : memref<64x256xf32, #tpu.memory_space<vmem>>, vector<1x16xf32>,
        %get3A_109 = arith.constant 0 : i32
        %get3A_110 = arith.index_cast %get3A_109 : i32 to index
        %get3A_111 = arith.index_cast %scan3A_70 : i32 to index
        %get3A_112 = arith.constant 16 : index
        %get3A_113 = tpu.vector_load %arg10[%get3A_110, %get3A_111, %get3A_112] {strides = array<i32>} : memref<3x64x256xf32, #tpu.memory_space<vmem>>, vector<1x1x16xf32>,
        %get3A_114 = vector.shape_cast %get3A_113 : vector<1x1x16xf32> to vector<16xf32>
        %mul3A_115 = vector.broadcast %squeeze3A : f32 to vector<16xf32>
        %mul3A_116 = arith.mulf %mul3A_115, %get3A_114 : vector<16xf32>
        %get3A_117 = arith.constant 1 : i32
        %get3A_118 = arith.index_cast %get3A_117 : i32 to index
        %get3A_119 = arith.index_cast %scan3A_70 : i32 to index
        %get3A_120 = arith.constant 16 : index
        %get3A_121 = tpu.vector_load %arg10[%get3A_118, %get3A_119, %get3A_120] {strides = array<i32>} : memref<3x64x256xf32, #tpu.memory_space<vmem>>, vector<1x1x16xf32>,
        %get3A_122 = vector.shape_cast %get3A_121 : vector<1x1x16xf32> to vector<16xf32>
        %mul3A_123 = vector.broadcast %squeeze3A_76 : f32 to vector<16xf32>
        %mul3A_124 = arith.mulf %mul3A_123, %get3A_122 : vector<16xf32>
        %add3A_125 = arith.addf %mul3A_116, %mul3A_124 : vector<16xf32>
        %get3A_126 = arith.constant 2 : i32
        %get3A_127 = arith.index_cast %get3A_126 : i32 to index
        %get3A_128 = arith.index_cast %scan3A_70 : i32 to index
        %get3A_129 = arith.constant 16 : index
        %get3A_130 = tpu.vector_load %arg10[%get3A_127, %get3A_128, %get3A_129] {strides = array<i32>} : memref<3x64x256xf32, #tpu.memory_space<vmem>>, vector<1x1x16xf32>,
        %get3A_131 = vector.shape_cast %get3A_130 : vector<1x1x16xf32> to vector<16xf32>
        %mul3A_132 = vector.broadcast %squeeze3A_78 : f32 to vector<16xf32>
        %mul3A_133 = arith.mulf %mul3A_132, %get3A_131 : vector<16xf32>
        %add3A_134 = arith.addf %add3A_125, %mul3A_133 : vector<16xf32>
        %swap3A_135 = arith.index_cast %scan3A_70 : i32 to index
        %swap3A_136 = arith.constant 16 : index
        %swap3A_137 = tpu.vector_load %arg11[%swap3A_135, %swap3A_136] {strides = array<i32>} : memref<64x256xf32, #tpu.memory_space<vmem>>, vector<1x16xf32>,
        %swap3A_138 = vector.shape_cast %swap3A_137 : vector<1x16xf32> to vector<16xf32>
        %swap3A_139 = vector.shape_cast %add3A_134 : vector<16xf32> to vector<1x16xf32>
        tpu.vector_store %arg11[%swap3A_135, %swap3A_136], %swap3A_139 {strides = array<i32>} : memref<64x256xf32, #tpu.memory_space<vmem>>, vector<1x16xf32>,
        %get3A_140 = arith.constant 0 : i32
        %get3A_141 = arith.index_cast %get3A_140 : i32 to index
        %get3A_142 = arith.index_cast %scan3A_70 : i32 to index
        %get3A_143 = arith.constant 32 : index
        %get3A_144 = tpu.vector_load %arg10[%get3A_141, %get3A_142, %get3A_143] {strides = array<i32>} : memref<3x64x256xf32, #tpu.memory_space<vmem>>, vector<1x1x16xf32>,
        %get3A_145 = vector.shape_cast %get3A_144 : vector<1x1x16xf32> to vector<16xf32>
        %mul3A_146 = vector.broadcast %squeeze3A : f32 to vector<16xf32>
        %mul3A_147 = arith.mulf %mul3A_146, %get3A_145 : vector<16xf32>
        %get3A_148 = arith.constant 1 : i32
        %get3A_149 = arith.index_cast %get3A_148 : i32 to index
        %get3A_150 = arith.index_cast %scan3A_70 : i32 to index
        %get3A_151 = arith.constant 32 : index
        %get3A_152 = tpu.vector_load %arg10[%get3A_149, %get3A_150, %get3A_151] {strides = array<i32>} : memref<3x64x256xf32, #tpu.memory_space<vmem>>, vector<1x1x16xf32>,
        %get3A_153 = vector.shape_cast %get3A_152 : vector<1x1x16xf32> to vector<16xf32>
        %mul3A_154 = vector.broadcast %squeeze3A_76 : f32 to vector<16xf32>
        %mul3A_155 = arith.mulf %mul3A_154, %get3A_153 : vector<16xf32>
        %add3A_156 = arith.addf %mul3A_147, %mul3A_155 : vector<16xf32>
        %get3A_157 = arith.constant 2 : i32
        %get3A_158 = arith.index_cast %get3A_157 : i32 to index
        %get3A_159 = arith.index_cast %scan3A_70 : i32 to index
        %get3A_160 = arith.constant 32 : index
        %get3A_161 = tpu.vector_load %arg10[%get3A_158, %get3A_159, %get3A_160] {strides = array<i32>} : memref<3x64x256xf32, #tpu.memory_space<vmem>>, vector<1x1x16xf32>,
        %get3A_162 = vector.shape_cast %get3A_161 : vector<1x1x16xf32> to vector<16xf32>
        %mul3A_163 = vector.broadcast %squeeze3A_78 : f32 to vector<16xf32>
        %mul3A_164 = arith.mulf %mul3A_163, %get3A_162 : vector<16xf32>
        %add3A_165 = arith.addf %add3A_156, %mul3A_164 : vector<16xf32>
        %swap3A_166 = arith.index_cast %scan3A_70 : i32 to index
        %swap3A_167 = arith.constant 32 : index
        %swap3A_168 = tpu.vector_load %arg11[%swap3A_166, %swap3A_167] {strides = array<i32>} : memref<64x256xf32, #tpu.memory_space<vmem>>, vector<1x16xf32>,
        %swap3A_169 = vector.shape_cast %swap3A_168 : vector<1x16xf32> to vector<16xf32>
        %swap3A_170 = vector.shape_cast %add3A_165 : vector<16xf32> to vector<1x16xf32>
        tpu.vector_store %arg11[%swap3A_166, %swap3A_167], %swap3A_170 {strides = array<i32>} : memref<64x256xf32, #tpu.memory_space<vmem>>, vector<1x16xf32>,
        %get3A_171 = arith.constant 0 : i32
        %get3A_172 = arith.index_cast %get3A_171 : i32 to index
        %get3A_173 = arith.index_cast %scan3A_70 : i32 to index
        %get3A_174 = arith.constant 48 : index
        %get3A_175 = tpu.vector_load %arg10[%get3A_172, %get3A_173, %get3A_174] {strides = array<i32>} : memref<3x64x256xf32, #tpu.memory_space<vmem>>, vector<1x1x16xf32>,
        %get3A_176 = vector.shape_cast %get3A_175 : vector<1x1x16xf32> to vector<16xf32>
        %mul3A_177 = vector.broadcast %squeeze3A : f32 to vector<16xf32>
        %mul3A_178 = arith.mulf %mul3A_177, %get3A_176 : vector<16xf32>
        %get3A_179 = arith.constant 1 : i32
        %get3A_180 = arith.index_cast %get3A_179 : i32 to index
        %get3A_181 = arith.index_cast %scan3A_70 : i32 to index
        %get3A_182 = arith.constant 48 : index
        %get3A_183 = tpu.vector_load %arg10[%get3A_180, %get3A_181, %get3A_182] {strides = array<i32>} : memref<3x64x256xf32, #tpu.memory_space<vmem>>, vector<1x1x16xf32>,
        %get3A_184 = vector.shape_cast %get3A_183 : vector<1x1x16xf32> to vector<16xf32>
        %mul3A_185 = vector.broadcast %squeeze3A_76 : f32 to vector<16xf32>
        %mul3A_186 = arith.mulf %mul3A_185, %get3A_184 : vector<16xf32>
        %add3A_187 = arith.addf %mul3A_178, %mul3A_186 : vector<16xf32>
        %get3A_188 = arith.constant 2 : i32
        %get3A_189 = arith.index_cast %get3A_188 : i32 to index
        %get3A_190 = arith.index_cast %scan3A_70 : i32 to index
        %get3A_191 = arith.constant 48 : index
        %get3A_192 = tpu.vector_load %arg10[%get3A_189, %get3A_190, %get3A_191] {strides = array<i32>} : memref<3x64x256xf32, #tpu.memory_space<vmem>>, vector<1x1x16xf32>,
        %get3A_193 = vector.shape_cast %get3A_192 : vector<1x1x16xf32> to vector<16xf32>
        %mul3A_194 = vector.broadcast %squeeze3A_78 : f32 to vector<16xf32>
        %mul3A_195 = arith.mulf %mul3A_194, %get3A_193 : vector<16xf32>
        %add3A_196 = arith.addf %add3A_187, %mul3A_195 : vector<16xf32>
        %swap3A_197 = arith.index_cast %scan3A_70 : i32 to index
        %swap3A_198 = arith.constant 48 : index
        %swap3A_199 = tpu.vector_load %arg11[%swap3A_197, %swap3A_198] {strides = array<i32>} : memref<64x256xf32, #tpu.memory_space<vmem>>, vector<1x16xf32>,
        %swap3A_200 = vector.shape_cast %swap3A_199 : vector<1x16xf32> to vector<16xf32>
        %swap3A_201 = vector.shape_cast %add3A_196 : vector<16xf32> to vector<1x16xf32>
        tpu.vector_store %arg11[%swap3A_197, %swap3A_198], %swap3A_201 {strides = array<i32>} : memref<64x256xf32, #tpu.memory_space<vmem>>, vector<1x16xf32>,
        %get3A_202 = arith.constant 0 : i32
        %get3A_203 = arith.index_cast %get3A_202 : i32 to index
        %get3A_204 = arith.index_cast %scan3A_70 : i32 to index
        %get3A_205 = arith.constant 64 : index
        %get3A_206 = tpu.vector_load %arg10[%get3A_203, %get3A_204, %get3A_205] {strides = array<i32>} : memref<3x64x256xf32, #tpu.memory_space<vmem>>, vector<1x1x16xf32>,
        %get3A_207 = vector.shape_cast %get3A_206 : vector<1x1x16xf32> to vector<16xf32>
        %mul3A_208 = vector.broadcast %squeeze3A : f32 to vector<16xf32>
        %mul3A_209 = arith.mulf %mul3A_208, %get3A_207 : vector<16xf32>
        %get3A_210 = arith.constant 1 : i32
        %get3A_211 = arith.index_cast %get3A_210 : i32 to index
        %get3A_212 = arith.index_cast %scan3A_70 : i32 to index
        %get3A_213 = arith.constant 64 : index
        %get3A_214 = tpu.vector_load %arg10[%get3A_211, %get3A_212, %get3A_213] {strides = array<i32>} : memref<3x64x256xf32, #tpu.memory_space<vmem>>, vector<1x1x16xf32>,
        %get3A_215 = vector.shape_cast %get3A_214 : vector<1x1x16xf32> to vector<16xf32>
        %mul3A_216 = vector.broadcast %squeeze3A_76 : f32 to vector<16xf32>
        %mul3A_217 = arith.mulf %mul3A_216, %get3A_215 : vector<16xf32>
        %add3A_218 = arith.addf %mul3A_209, %mul3A_217 : vector<16xf32>
        %get3A_219 = arith.constant 2 : i32
        %get3A_220 = arith.index_cast %get3A_219 : i32 to index
        %get3A_221 = arith.index_cast %scan3A_70 : i32 to index
        %get3A_222 = arith.constant 64 : index
        %get3A_223 = tpu.vector_load %arg10[%get3A_220, %get3A_221, %get3A_222] {strides = array<i32>} : memref<3x64x256xf32, #tpu.memory_space<vmem>>, vector<1x1x16xf32>,
        %get3A_224 = vector.shape_cast %get3A_223 : vector<1x1x16xf32> to vector<16xf32>
        %mul3A_225 = vector.broadcast %squeeze3A_78 : f32 to vector<16xf32>
        %mul3A_226 = arith.mulf %mul3A_225, %get3A_224 : vector<16xf32>
        %add3A_227 = arith.addf %add3A_218, %mul3A_226 : vector<16xf32>
        %swap3A_228 = arith.index_cast %scan3A_70 : i32 to index
        %swap3A_229 = arith.constant 64 : index
        %swap3A_230 = tpu.vector_load %arg11[%swap3A_228, %swap3A_229] {strides = array<i32>} : memref<64x256xf32, #tpu.memory_space<vmem>>, vector<1x16xf32>,
        %swap3A_231 = vector.shape_cast %swap3A_230 : vector<1x16xf32> to vector<16xf32>
        %swap3A_232 = vector.shape_cast %add3A_227 : vector<16xf32> to vector<1x16xf32>
        tpu.vector_store %arg11[%swap3A_228, %swap3A_229], %swap3A_232 {strides = array<i32>} : memref<64x256xf32, #tpu.memory_space<vmem>>, vector<1x16xf32>,
        %get3A_233 = arith.constant 0 : i32
        %get3A_234 = arith.index_cast %get3A_233 : i32 to index
        %get3A_235 = arith.index_cast %scan3A_70 : i32 to index
        %get3A_236 = arith.constant 80 : index
        %get3A_237 = tpu.vector_load %arg10[%get3A_234, %get3A_235, %get3A_236] {strides = array<i32>} : memref<3x64x256xf32, #tpu.memory_space<vmem>>, vector<1x1x16xf32>,
        %get3A_238 = vector.shape_cast %get3A_237 : vector<1x1x16xf32> to vector<16xf32>
        %mul3A_239 = vector.broadcast %squeeze3A : f32 to vector<16xf32>
        %mul3A_240 = arith.mulf %mul3A_239, %get3A_238 : vector<16xf32>
        %get3A_241 = arith.constant 1 : i32
        %get3A_242 = arith.index_cast %get3A_241 : i32 to index
        %get3A_243 = arith.index_cast %scan3A_70 : i32 to index
        %get3A_244 = arith.constant 80 : index
        %get3A_245 = tpu.vector_load %arg10[%get3A_242, %get3A_243, %get3A_244] {strides = array<i32>} : memref<3x64x256xf32, #tpu.memory_space<vmem>>, vector<1x1x16xf32>,
        %get3A_246 = vector.shape_cast %get3A_245 : vector<1x1x16xf32> to vector<16xf32>
        %mul3A_247 = vector.broadcast %squeeze3A_76 : f32 to vector<16xf32>
        %mul3A_248 = arith.mulf %mul3A_247, %get3A_246 : vector<16xf32>
        %add3A_249 = arith.addf %mul3A_240, %mul3A_248 : vector<16xf32>
        %get3A_250 = arith.constant 2 : i32
        %get3A_251 = arith.index_cast %get3A_250 : i32 to index
        %get3A_252 = arith.index_cast %scan3A_70 : i32 to index
        %get3A_253 = arith.constant 80 : index
        %get3A_254 = tpu.vector_load %arg10[%get3A_251, %get3A_252, %get3A_253] {strides = array<i32>} : memref<3x64x256xf32, #tpu.memory_space<vmem>>, vector<1x1x16xf32>,
        %get3A_255 = vector.shape_cast %get3A_254 : vector<1x1x16xf32> to vector<16xf32>
        %mul3A_256 = vector.broadcast %squeeze3A_78 : f32 to vector<16xf32>
        %mul3A_257 = arith.mulf %mul3A_256, %get3A_255 : vector<16xf32>
        %add3A_258 = arith.addf %add3A_249, %mul3A_257 : vector<16xf32>
        %swap3A_259 = arith.index_cast %scan3A_70 : i32 to index
        %swap3A_260 = arith.constant 80 : index
        %swap3A_261 = tpu.vector_load %arg11[%swap3A_259, %swap3A_260] {strides = array<i32>} : memref<64x256xf32, #tpu.memory_space<vmem>>, vector<1x16xf32>,
        %swap3A_262 = vector.shape_cast %swap3A_261 : vector<1x16xf32> to vector<16xf32>
        %swap3A_263 = vector.shape_cast %add3A_258 : vector<16xf32> to vector<1x16xf32>
        tpu.vector_store %arg11[%swap3A_259, %swap3A_260], %swap3A_263 {strides = array<i32>} : memref<64x256xf32, #tpu.memory_space<vmem>>, vector<1x16xf32>,
        %get3A_264 = arith.constant 0 : i32
        %get3A_265 = arith.index_cast %get3A_264 : i32 to index
        %get3A_266 = arith.index_cast %scan3A_70 : i32 to index
        %get3A_267 = arith.constant 96 : index
        %get3A_268 = tpu.vector_load %arg10[%get3A_265, %get3A_266, %get3A_267] {strides = array<i32>} : memref<3x64x256xf32, #tpu.memory_space<vmem>>, vector<1x1x16xf32>,
        %get3A_269 = vector.shape_cast %get3A_268 : vector<1x1x16xf32> to vector<16xf32>
        %mul3A_270 = vector.broadcast %squeeze3A : f32 to vector<16xf32>
        %mul3A_271 = arith.mulf %mul3A_270, %get3A_269 : vector<16xf32>
        %get3A_272 = arith.constant 1 : i32
        %get3A_273 = arith.index_cast %get3A_272 : i32 to index
        %get3A_274 = arith.index_cast %scan3A_70 : i32 to index
        %get3A_275 = arith.constant 96 : index
        %get3A_276 = tpu.vector_load %arg10[%get3A_273, %get3A_274, %get3A_275] {strides = array<i32>} : memref<3x64x256xf32, #tpu.memory_space<vmem>>, vector<1x1x16xf32>,
        %get3A_277 = vector.shape_cast %get3A_276 : vector<1x1x16xf32> to vector<16xf32>
        %mul3A_278 = vector.broadcast %squeeze3A_76 : f32 to vector<16xf32>
        %mul3A_279 = arith.mulf %mul3A_278, %get3A_277 : vector<16xf32>
        %add3A_280 = arith.addf %mul3A_271, %mul3A_279 : vector<16xf32>
        %get3A_281 = arith.constant 2 : i32
        %get3A_282 = arith.index_cast %get3A_281 : i32 to index
        %get3A_283 = arith.index_cast %scan3A_70 : i32 to index
        %get3A_284 = arith.constant 96 : index
        %get3A_285 = tpu.vector_load %arg10[%get3A_282, %get3A_283, %get3A_284] {strides = array<i32>} : memref<3x64x256xf32, #tpu.memory_space<vmem>>, vector<1x1x16xf32>,
        %get3A_286 = vector.shape_cast %get3A_285 : vector<1x1x16xf32> to vector<16xf32>
        %mul3A_287 = vector.broadcast %squeeze3A_78 : f32 to vector<16xf32>
        %mul3A_288 = arith.mulf %mul3A_287, %get3A_286 : vector<16xf32>
        %add3A_289 = arith.addf %add3A_280, %mul3A_288 : vector<16xf32>
        %swap3A_290 = arith.index_cast %scan3A_70 : i32 to index
        %swap3A_291 = arith.constant 96 : index
        %swap3A_292 = tpu.vector_load %arg11[%swap3A_290, %swap3A_291] {strides = array<i32>} : memref<64x256xf32, #tpu.memory_space<vmem>>, vector<1x16xf32>,
        %swap3A_293 = vector.shape_cast %swap3A_292 : vector<1x16xf32> to vector<16xf32>
        %swap3A_294 = vector.shape_cast %add3A_289 : vector<16xf32> to vector<1x16xf32>
        tpu.vector_store %arg11[%swap3A_290, %swap3A_291], %swap3A_294 {strides = array<i32>} : memref<64x256xf32, #tpu.memory_space<vmem>>, vector<1x16xf32>,
        %get3A_295 = arith.constant 0 : i32
        %get3A_296 = arith.index_cast %get3A_295 : i32 to index
        %get3A_297 = arith.index_cast %scan3A_70 : i32 to index
        %get3A_298 = arith.constant 112 : index
        %get3A_299 = tpu.vector_load %arg10[%get3A_296, %get3A_297, %get3A_298] {strides = array<i32>} : memref<3x64x256xf32, #tpu.memory_space<vmem>>, vector<1x1x16xf32>,
        %get3A_300 = vector.shape_cast %get3A_299 : vector<1x1x16xf32> to vector<16xf32>
        %mul3A_301 = vector.broadcast %squeeze3A : f32 to vector<16xf32>
        %mul3A_302 = arith.mulf %mul3A_301, %get3A_300 : vector<16xf32>
        %get3A_303 = arith.constant 1 : i32
        %get3A_304 = arith.index_cast %get3A_303 : i32 to index
        %get3A_305 = arith.index_cast %scan3A_70 : i32 to index
        %get3A_306 = arith.constant 112 : index
        %get3A_307 = tpu.vector_load %arg10[%get3A_304, %get3A_305, %get3A_306] {strides = array<i32>} : memref<3x64x256xf32, #tpu.memory_space<vmem>>, vector<1x1x16xf32>,
        %get3A_308 = vector.shape_cast %get3A_307 : vector<1x1x16xf32> to vector<16xf32>
        %mul3A_309 = vector.broadcast %squeeze3A_76 : f32 to vector<16xf32>
        %mul3A_310 = arith.mulf %mul3A_309, %get3A_308 : vector<16xf32>
        %add3A_311 = arith.addf %mul3A_302, %mul3A_310 : vector<16xf32>
        %get3A_312 = arith.constant 2 : i32
        %get3A_313 = arith.index_cast %get3A_312 : i32 to index
        %get3A_314 = arith.index_cast %scan3A_70 : i32 to index
        %get3A_315 = arith.constant 112 : index
        %get3A_316 = tpu.vector_load %arg10[%get3A_313, %get3A_314, %get3A_315] {strides = array<i32>} : memref<3x64x256xf32, #tpu.memory_space<vmem>>, vector<1x1x16xf32>,
        %get3A_317 = vector.shape_cast %get3A_316 : vector<1x1x16xf32> to vector<16xf32>
        %mul3A_318 = vector.broadcast %squeeze3A_78 : f32 to vector<16xf32>
        %mul3A_319 = arith.mulf %mul3A_318, %get3A_317 : vector<16xf32>
        %add3A_320 = arith.addf %add3A_311, %mul3A_319 : vector<16xf32>
        %swap3A_321 = arith.index_cast %scan3A_70 : i32 to index
        %swap3A_322 = arith.constant 112 : index
        %swap3A_323 = tpu.vector_load %arg11[%swap3A_321, %swap3A_322] {strides = array<i32>} : memref<64x256xf32, #tpu.memory_space<vmem>>, vector<1x16xf32>,
        %swap3A_324 = vector.shape_cast %swap3A_323 : vector<1x16xf32> to vector<16xf32>
        %swap3A_325 = vector.shape_cast %add3A_320 : vector<16xf32> to vector<1x16xf32>
        tpu.vector_store %arg11[%swap3A_321, %swap3A_322], %swap3A_325 {strides = array<i32>} : memref<64x256xf32, #tpu.memory_space<vmem>>, vector<1x16xf32>,
        %get3A_326 = arith.constant 0 : i32
        %get3A_327 = arith.index_cast %get3A_326 : i32 to index
        %get3A_328 = arith.index_cast %scan3A_70 : i32 to index
        %get3A_329 = arith.constant 128 : index
        %get3A_330 = tpu.vector_load %arg10[%get3A_327, %get3A_328, %get3A_329] {strides = array<i32>} : memref<3x64x256xf32, #tpu.memory_space<vmem>>, vector<1x1x16xf32>,
        %get3A_331 = vector.shape_cast %get3A_330 : vector<1x1x16xf32> to vector<16xf32>
        %mul3A_332 = vector.broadcast %squeeze3A : f32 to vector<16xf32>
        %mul3A_333 = arith.mulf %mul3A_332, %get3A_331 : vector<16xf32>
        %get3A_334 = arith.constant 1 : i32
        %get3A_335 = arith.index_cast %get3A_334 : i32 to index
        %get3A_336 = arith.index_cast %scan3A_70 : i32 to index
        %get3A_337 = arith.constant 128 : index
        %get3A_338 = tpu.vector_load %arg10[%get3A_335, %get3A_336, %get3A_337] {strides = array<i32>} : memref<3x64x256xf32, #tpu.memory_space<vmem>>, vector<1x1x16xf32>,
        %get3A_339 = vector.shape_cast %get3A_338 : vector<1x1x16xf32> to vector<16xf32>
        %mul3A_340 = vector.broadcast %squeeze3A_76 : f32 to vector<16xf32>
        %mul3A_341 = arith.mulf %mul3A_340, %get3A_339 : vector<16xf32>
        %add3A_342 = arith.addf %mul3A_333, %mul3A_341 : vector<16xf32>
        %get3A_343 = arith.constant 2 : i32
        %get3A_344 = arith.index_cast %get3A_343 : i32 to index
        %get3A_345 = arith.index_cast %scan3A_70 : i32 to index
        %get3A_346 = arith.constant 128 : index
        %get3A_347 = tpu.vector_load %arg10[%get3A_344, %get3A_345, %get3A_346] {strides = array<i32>} : memref<3x64x256xf32, #tpu.memory_space<vmem>>, vector<1x1x16xf32>,
        %get3A_348 = vector.shape_cast %get3A_347 : vector<1x1x16xf32> to vector<16xf32>
        %mul3A_349 = vector.broadcast %squeeze3A_78 : f32 to vector<16xf32>
        %mul3A_350 = arith.mulf %mul3A_349, %get3A_348 : vector<16xf32>
        %add3A_351 = arith.addf %add3A_342, %mul3A_350 : vector<16xf32>
        %swap3A_352 = arith.index_cast %scan3A_70 : i32 to index
        %swap3A_353 = arith.constant 128 : index
        %swap3A_354 = tpu.vector_load %arg11[%swap3A_352, %swap3A_353] {strides = array<i32>} : memref<64x256xf32, #tpu.memory_space<vmem>>, vector<1x16xf32>,
        %swap3A_355 = vector.shape_cast %swap3A_354 : vector<1x16xf32> to vector<16xf32>
        %swap3A_356 = vector.shape_cast %add3A_351 : vector<16xf32> to vector<1x16xf32>
        tpu.vector_store %arg11[%swap3A_352, %swap3A_353], %swap3A_356 {strides = array<i32>} : memref<64x256xf32, #tpu.memory_space<vmem>>, vector<1x16xf32>,
        %get3A_357 = arith.constant 0 : i32
        %get3A_358 = arith.index_cast %get3A_357 : i32 to index
        %get3A_359 = arith.index_cast %scan3A_70 : i32 to index
        %get3A_360 = arith.constant 144 : index
        %get3A_361 = tpu.vector_load %arg10[%get3A_358, %get3A_359, %get3A_360] {strides = array<i32>} : memref<3x64x256xf32, #tpu.memory_space<vmem>>, vector<1x1x16xf32>,
        %get3A_362 = vector.shape_cast %get3A_361 : vector<1x1x16xf32> to vector<16xf32>
        %mul3A_363 = vector.broadcast %squeeze3A : f32 to vector<16xf32>
        %mul3A_364 = arith.mulf %mul3A_363, %get3A_362 : vector<16xf32>
        %get3A_365 = arith.constant 1 : i32
        %get3A_366 = arith.index_cast %get3A_365 : i32 to index
        %get3A_367 = arith.index_cast %scan3A_70 : i32 to index
        %get3A_368 = arith.constant 144 : index
        %get3A_369 = tpu.vector_load %arg10[%get3A_366, %get3A_367, %get3A_368] {strides = array<i32>} : memref<3x64x256xf32, #tpu.memory_space<vmem>>, vector<1x1x16xf32>,
        %get3A_370 = vector.shape_cast %get3A_369 : vector<1x1x16xf32> to vector<16xf32>
        %mul3A_371 = vector.broadcast %squeeze3A_76 : f32 to vector<16xf32>
        %mul3A_372 = arith.mulf %mul3A_371, %get3A_370 : vector<16xf32>
        %add3A_373 = arith.addf %mul3A_364, %mul3A_372 : vector<16xf32>
        %get3A_374 = arith.constant 2 : i32
        %get3A_375 = arith.index_cast %get3A_374 : i32 to index
        %get3A_376 = arith.index_cast %scan3A_70 : i32 to index
        %get3A_377 = arith.constant 144 : index
        %get3A_378 = tpu.vector_load %arg10[%get3A_375, %get3A_376, %get3A_377] {strides = array<i32>} : memref<3x64x256xf32, #tpu.memory_space<vmem>>, vector<1x1x16xf32>,
        %get3A_379 = vector.shape_cast %get3A_378 : vector<1x1x16xf32> to vector<16xf32>
        %mul3A_380 = vector.broadcast %squeeze3A_78 : f32 to vector<16xf32>
        %mul3A_381 = arith.mulf %mul3A_380, %get3A_379 : vector<16xf32>
        %add3A_382 = arith.addf %add3A_373, %mul3A_381 : vector<16xf32>
        %swap3A_383 = arith.index_cast %scan3A_70 : i32 to index
        %swap3A_384 = arith.constant 144 : index
        %swap3A_385 = tpu.vector_load %arg11[%swap3A_383, %swap3A_384] {strides = array<i32>} : memref<64x256xf32, #tpu.memory_space<vmem>>, vector<1x16xf32>,
        %swap3A_386 = vector.shape_cast %swap3A_385 : vector<1x16xf32> to vector<16xf32>
        %swap3A_387 = vector.shape_cast %add3A_382 : vector<16xf32> to vector<1x16xf32>
        tpu.vector_store %arg11[%swap3A_383, %swap3A_384], %swap3A_387 {strides = array<i32>} : memref<64x256xf32, #tpu.memory_space<vmem>>, vector<1x16xf32>,
        %get3A_388 = arith.constant 0 : i32
        %get3A_389 = arith.index_cast %get3A_388 : i32 to index
        %get3A_390 = arith.index_cast %scan3A_70 : i32 to index
        %get3A_391 = arith.constant 160 : index
        %get3A_392 = tpu.vector_load %arg10[%get3A_389, %get3A_390, %get3A_391] {strides = array<i32>} : memref<3x64x256xf32, #tpu.memory_space<vmem>>, vector<1x1x16xf32>,
        %get3A_393 = vector.shape_cast %get3A_392 : vector<1x1x16xf32> to vector<16xf32>
        %mul3A_394 = vector.broadcast %squeeze3A : f32 to vector<16xf32>
        %mul3A_395 = arith.mulf %mul3A_394, %get3A_393 : vector<16xf32>
        %get3A_396 = arith.constant 1 : i32
        %get3A_397 = arith.index_cast %get3A_396 : i32 to index
        %get3A_398 = arith.index_cast %scan3A_70 : i32 to index
        %get3A_399 = arith.constant 160 : index
        %get3A_400 = tpu.vector_load %arg10[%get3A_397, %get3A_398, %get3A_399] {strides = array<i32>} : memref<3x64x256xf32, #tpu.memory_space<vmem>>, vector<1x1x16xf32>,
        %get3A_401 = vector.shape_cast %get3A_400 : vector<1x1x16xf32> to vector<16xf32>
        %mul3A_402 = vector.broadcast %squeeze3A_76 : f32 to vector<16xf32>
        %mul3A_403 = arith.mulf %mul3A_402, %get3A_401 : vector<16xf32>
        %add3A_404 = arith.addf %mul3A_395, %mul3A_403 : vector<16xf32>
        %get3A_405 = arith.constant 2 : i32
        %get3A_406 = arith.index_cast %get3A_405 : i32 to index
        %get3A_407 = arith.index_cast %scan3A_70 : i32 to index
        %get3A_408 = arith.constant 160 : index
        %get3A_409 = tpu.vector_load %arg10[%get3A_406, %get3A_407, %get3A_408] {strides = array<i32>} : memref<3x64x256xf32, #tpu.memory_space<vmem>>, vector<1x1x16xf32>,
        %get3A_410 = vector.shape_cast %get3A_409 : vector<1x1x16xf32> to vector<16xf32>
        %mul3A_411 = vector.broadcast %squeeze3A_78 : f32 to vector<16xf32>
        %mul3A_412 = arith.mulf %mul3A_411, %get3A_410 : vector<16xf32>
        %add3A_413 = arith.addf %add3A_404, %mul3A_412 : vector<16xf32>
        %swap3A_414 = arith.index_cast %scan3A_70 : i32 to index
        %swap3A_415 = arith.constant 160 : index
        %swap3A_416 = tpu.vector_load %arg11[%swap3A_414, %swap3A_415] {strides = array<i32>} : memref<64x256xf32, #tpu.memory_space<vmem>>, vector<1x16xf32>,
        %swap3A_417 = vector.shape_cast %swap3A_416 : vector<1x16xf32> to vector<16xf32>
        %swap3A_418 = vector.shape_cast %add3A_413 : vector<16xf32> to vector<1x16xf32>
        tpu.vector_store %arg11[%swap3A_414, %swap3A_415], %swap3A_418 {strides = array<i32>} : memref<64x256xf32, #tpu.memory_space<vmem>>, vector<1x16xf32>,
        %get3A_419 = arith.constant 0 : i32
        %get3A_420 = arith.index_cast %get3A_419 : i32 to index
        %get3A_421 = arith.index_cast %scan3A_70 : i32 to index
        %get3A_422 = arith.constant 176 : index
        %get3A_423 = tpu.vector_load %arg10[%get3A_420, %get3A_421, %get3A_422] {strides = array<i32>} : memref<3x64x256xf32, #tpu.memory_space<vmem>>, vector<1x1x16xf32>,
        %get3A_424 = vector.shape_cast %get3A_423 : vector<1x1x16xf32> to vector<16xf32>
        %mul3A_425 = vector.broadcast %squeeze3A : f32 to vector<16xf32>
        %mul3A_426 = arith.mulf %mul3A_425, %get3A_424 : vector<16xf32>
        %get3A_427 = arith.constant 1 : i32
        %get3A_428 = arith.index_cast %get3A_427 : i32 to index
        %get3A_429 = arith.index_cast %scan3A_70 : i32 to index
        %get3A_430 = arith.constant 176 : index
        %get3A_431 = tpu.vector_load %arg10[%get3A_428, %get3A_429, %get3A_430] {strides = array<i32>} : memref<3x64x256xf32, #tpu.memory_space<vmem>>, vector<1x1x16xf32>,
        %get3A_432 = vector.shape_cast %get3A_431 : vector<1x1x16xf32> to vector<16xf32>
        %mul3A_433 = vector.broadcast %squeeze3A_76 : f32 to vector<16xf32>
        %mul3A_434 = arith.mulf %mul3A_433, %get3A_432 : vector<16xf32>
        %add3A_435 = arith.addf %mul3A_426, %mul3A_434 : vector<16xf32>
        %get3A_436 = arith.constant 2 : i32
        %get3A_437 = arith.index_cast %get3A_436 : i32 to index
        %get3A_438 = arith.index_cast %scan3A_70 : i32 to index
        %get3A_439 = arith.constant 176 : index
        %get3A_440 = tpu.vector_load %arg10[%get3A_437, %get3A_438, %get3A_439] {strides = array<i32>} : memref<3x64x256xf32, #tpu.memory_space<vmem>>, vector<1x1x16xf32>,
        %get3A_441 = vector.shape_cast %get3A_440 : vector<1x1x16xf32> to vector<16xf32>
        %mul3A_442 = vector.broadcast %squeeze3A_78 : f32 to vector<16xf32>
        %mul3A_443 = arith.mulf %mul3A_442, %get3A_441 : vector<16xf32>
        %add3A_444 = arith.addf %add3A_435, %mul3A_443 : vector<16xf32>
        %swap3A_445 = arith.index_cast %scan3A_70 : i32 to index
        %swap3A_446 = arith.constant 176 : index
        %swap3A_447 = tpu.vector_load %arg11[%swap3A_445, %swap3A_446] {strides = array<i32>} : memref<64x256xf32, #tpu.memory_space<vmem>>, vector<1x16xf32>,
        %swap3A_448 = vector.shape_cast %swap3A_447 : vector<1x16xf32> to vector<16xf32>
        %swap3A_449 = vector.shape_cast %add3A_444 : vector<16xf32> to vector<1x16xf32>
        tpu.vector_store %arg11[%swap3A_445, %swap3A_446], %swap3A_449 {strides = array<i32>} : memref<64x256xf32, #tpu.memory_space<vmem>>, vector<1x16xf32>,
        %get3A_450 = arith.constant 0 : i32
        %get3A_451 = arith.index_cast %get3A_450 : i32 to index
        %get3A_452 = arith.index_cast %scan3A_70 : i32 to index
        %get3A_453 = arith.constant 192 : index
        %get3A_454 = tpu.vector_load %arg10[%get3A_451, %get3A_452, %get3A_453] {strides = array<i32>} : memref<3x64x256xf32, #tpu.memory_space<vmem>>, vector<1x1x16xf32>,
        %get3A_455 = vector.shape_cast %get3A_454 : vector<1x1x16xf32> to vector<16xf32>
        %mul3A_456 = vector.broadcast %squeeze3A : f32 to vector<16xf32>
        %mul3A_457 = arith.mulf %mul3A_456, %get3A_455 : vector<16xf32>
        %get3A_458 = arith.constant 1 : i32
        %get3A_459 = arith.index_cast %get3A_458 : i32 to index
        %get3A_460 = arith.index_cast %scan3A_70 : i32 to index
        %get3A_461 = arith.constant 192 : index
        %get3A_462 = tpu.vector_load %arg10[%get3A_459, %get3A_460, %get3A_461] {strides = array<i32>} : memref<3x64x256xf32, #tpu.memory_space<vmem>>, vector<1x1x16xf32>,
        %get3A_463 = vector.shape_cast %get3A_462 : vector<1x1x16xf32> to vector<16xf32>
        %mul3A_464 = vector.broadcast %squeeze3A_76 : f32 to vector<16xf32>
        %mul3A_465 = arith.mulf %mul3A_464, %get3A_463 : vector<16xf32>
        %add3A_466 = arith.addf %mul3A_457, %mul3A_465 : vector<16xf32>
        %get3A_467 = arith.constant 2 : i32
        %get3A_468 = arith.index_cast %get3A_467 : i32 to index
        %get3A_469 = arith.index_cast %scan3A_70 : i32 to index
        %get3A_470 = arith.constant 192 : index
        %get3A_471 = tpu.vector_load %arg10[%get3A_468, %get3A_469, %get3A_470] {strides = array<i32>} : memref<3x64x256xf32, #tpu.memory_space<vmem>>, vector<1x1x16xf32>,
        %get3A_472 = vector.shape_cast %get3A_471 : vector<1x1x16xf32> to vector<16xf32>
        %mul3A_473 = vector.broadcast %squeeze3A_78 : f32 to vector<16xf32>
        %mul3A_474 = arith.mulf %mul3A_473, %get3A_472 : vector<16xf32>
        %add3A_475 = arith.addf %add3A_466, %mul3A_474 : vector<16xf32>
        %swap3A_476 = arith.index_cast %scan3A_70 : i32 to index
        %swap3A_477 = arith.constant 192 : index
        %swap3A_478 = tpu.vector_load %arg11[%swap3A_476, %swap3A_477] {strides = array<i32>} : memref<64x256xf32, #tpu.memory_space<vmem>>, vector<1x16xf32>,
        %swap3A_479 = vector.shape_cast %swap3A_478 : vector<1x16xf32> to vector<16xf32>
        %swap3A_480 = vector.shape_cast %add3A_475 : vector<16xf32> to vector<1x16xf32>
        tpu.vector_store %arg11[%swap3A_476, %swap3A_477], %swap3A_480 {strides = array<i32>} : memref<64x256xf32, #tpu.memory_space<vmem>>, vector<1x16xf32>,
        %get3A_481 = arith.constant 0 : i32
        %get3A_482 = arith.index_cast %get3A_481 : i32 to index
        %get3A_483 = arith.index_cast %scan3A_70 : i32 to index
        %get3A_484 = arith.constant 208 : index
        %get3A_485 = tpu.vector_load %arg10[%get3A_482, %get3A_483, %get3A_484] {strides = array<i32>} : memref<3x64x256xf32, #tpu.memory_space<vmem>>, vector<1x1x16xf32>,
        %get3A_486 = vector.shape_cast %get3A_485 : vector<1x1x16xf32> to vector<16xf32>
        %mul3A_487 = vector.broadcast %squeeze3A : f32 to vector<16xf32>
        %mul3A_488 = arith.mulf %mul3A_487, %get3A_486 : vector<16xf32>
        %get3A_489 = arith.constant 1 : i32
        %get3A_490 = arith.index_cast %get3A_489 : i32 to index
        %get3A_491 = arith.index_cast %scan3A_70 : i32 to index
        %get3A_492 = arith.constant 208 : index
        %get3A_493 = tpu.vector_load %arg10[%get3A_490, %get3A_491, %get3A_492] {strides = array<i32>} : memref<3x64x256xf32, #tpu.memory_space<vmem>>, vector<1x1x16xf32>,
        %get3A_494 = vector.shape_cast %get3A_493 : vector<1x1x16xf32> to vector<16xf32>
        %mul3A_495 = vector.broadcast %squeeze3A_76 : f32 to vector<16xf32>
        %mul3A_496 = arith.mulf %mul3A_495, %get3A_494 : vector<16xf32>
        %add3A_497 = arith.addf %mul3A_488, %mul3A_496 : vector<16xf32>
        %get3A_498 = arith.constant 2 : i32
        %get3A_499 = arith.index_cast %get3A_498 : i32 to index
        %get3A_500 = arith.index_cast %scan3A_70 : i32 to index
        %get3A_501 = arith.constant 208 : index
        %get3A_502 = tpu.vector_load %arg10[%get3A_499, %get3A_500, %get3A_501] {strides = array<i32>} : memref<3x64x256xf32, #tpu.memory_space<vmem>>, vector<1x1x16xf32>,
        %get3A_503 = vector.shape_cast %get3A_502 : vector<1x1x16xf32> to vector<16xf32>
        %mul3A_504 = vector.broadcast %squeeze3A_78 : f32 to vector<16xf32>
        %mul3A_505 = arith.mulf %mul3A_504, %get3A_503 : vector<16xf32>
        %add3A_506 = arith.addf %add3A_497, %mul3A_505 : vector<16xf32>
        %swap3A_507 = arith.index_cast %scan3A_70 : i32 to index
        %swap3A_508 = arith.constant 208 : index
        %swap3A_509 = tpu.vector_load %arg11[%swap3A_507, %swap3A_508] {strides = array<i32>} : memref<64x256xf32, #tpu.memory_space<vmem>>, vector<1x16xf32>,
        %swap3A_510 = vector.shape_cast %swap3A_509 : vector<1x16xf32> to vector<16xf32>
        %swap3A_511 = vector.shape_cast %add3A_506 : vector<16xf32> to vector<1x16xf32>
        tpu.vector_store %arg11[%swap3A_507, %swap3A_508], %swap3A_511 {strides = array<i32>} : memref<64x256xf32, #tpu.memory_space<vmem>>, vector<1x16xf32>,
        %get3A_512 = arith.constant 0 : i32
        %get3A_513 = arith.index_cast %get3A_512 : i32 to index
        %get3A_514 = arith.index_cast %scan3A_70 : i32 to index
        %get3A_515 = arith.constant 224 : index
        %get3A_516 = tpu.vector_load %arg10[%get3A_513, %get3A_514, %get3A_515] {strides = array<i32>} : memref<3x64x256xf32, #tpu.memory_space<vmem>>, vector<1x1x16xf32>,
        %get3A_517 = vector.shape_cast %get3A_516 : vector<1x1x16xf32> to vector<16xf32>
        %mul3A_518 = vector.broadcast %squeeze3A : f32 to vector<16xf32>
        %mul3A_519 = arith.mulf %mul3A_518, %get3A_517 : vector<16xf32>
        %get3A_520 = arith.constant 1 : i32
        %get3A_521 = arith.index_cast %get3A_520 : i32 to index
        %get3A_522 = arith.index_cast %scan3A_70 : i32 to index
        %get3A_523 = arith.constant 224 : index
        %get3A_524 = tpu.vector_load %arg10[%get3A_521, %get3A_522, %get3A_523] {strides = array<i32>} : memref<3x64x256xf32, #tpu.memory_space<vmem>>, vector<1x1x16xf32>,
        %get3A_525 = vector.shape_cast %get3A_524 : vector<1x1x16xf32> to vector<16xf32>
        %mul3A_526 = vector.broadcast %squeeze3A_76 : f32 to vector<16xf32>
        %mul3A_527 = arith.mulf %mul3A_526, %get3A_525 : vector<16xf32>
        %add3A_528 = arith.addf %mul3A_519, %mul3A_527 : vector<16xf32>
        %get3A_529 = arith.constant 2 : i32
        %get3A_530 = arith.index_cast %get3A_529 : i32 to index
        %get3A_531 = arith.index_cast %scan3A_70 : i32 to index
        %get3A_532 = arith.constant 224 : index
        %get3A_533 = tpu.vector_load %arg10[%get3A_530, %get3A_531, %get3A_532] {strides = array<i32>} : memref<3x64x256xf32, #tpu.memory_space<vmem>>, vector<1x1x16xf32>,
        %get3A_534 = vector.shape_cast %get3A_533 : vector<1x1x16xf32> to vector<16xf32>
        %mul3A_535 = vector.broadcast %squeeze3A_78 : f32 to vector<16xf32>
        %mul3A_536 = arith.mulf %mul3A_535, %get3A_534 : vector<16xf32>
        %add3A_537 = arith.addf %add3A_528, %mul3A_536 : vector<16xf32>
        %swap3A_538 = arith.index_cast %scan3A_70 : i32 to index
        %swap3A_539 = arith.constant 224 : index
        %swap3A_540 = tpu.vector_load %arg11[%swap3A_538, %swap3A_539] {strides = array<i32>} : memref<64x256xf32, #tpu.memory_space<vmem>>, vector<1x16xf32>,
        %swap3A_541 = vector.shape_cast %swap3A_540 : vector<1x16xf32> to vector<16xf32>
        %swap3A_542 = vector.shape_cast %add3A_537 : vector<16xf32> to vector<1x16xf32>
        tpu.vector_store %arg11[%swap3A_538, %swap3A_539], %swap3A_542 {strides = array<i32>} : memref<64x256xf32, #tpu.memory_space<vmem>>, vector<1x16xf32>,
        %get3A_543 = arith.constant 0 : i32
        %get3A_544 = arith.index_cast %get3A_543 : i32 to index
        %get3A_545 = arith.index_cast %scan3A_70 : i32 to index
        %get3A_546 = arith.constant 240 : index
        %get3A_547 = tpu.vector_load %arg10[%get3A_544, %get3A_545, %get3A_546] {strides = array<i32>} : memref<3x64x256xf32, #tpu.memory_space<vmem>>, vector<1x1x16xf32>,
        %get3A_548 = vector.shape_cast %get3A_547 : vector<1x1x16xf32> to vector<16xf32>
        %mul3A_549 = vector.broadcast %squeeze3A : f32 to vector<16xf32>
        %mul3A_550 = arith.mulf %mul3A_549, %get3A_548 : vector<16xf32>
        %get3A_551 = arith.constant 1 : i32
        %get3A_552 = arith.index_cast %get3A_551 : i32 to index
        %get3A_553 = arith.index_cast %scan3A_70 : i32 to index
        %get3A_554 = arith.constant 240 : index
        %get3A_555 = tpu.vector_load %arg10[%get3A_552, %get3A_553, %get3A_554] {strides = array<i32>} : memref<3x64x256xf32, #tpu.memory_space<vmem>>, vector<1x1x16xf32>,
        %get3A_556 = vector.shape_cast %get3A_555 : vector<1x1x16xf32> to vector<16xf32>
        %mul3A_557 = vector.broadcast %squeeze3A_76 : f32 to vector<16xf32>
        %mul3A_558 = arith.mulf %mul3A_557, %get3A_556 : vector<16xf32>
        %add3A_559 = arith.addf %mul3A_550, %mul3A_558 : vector<16xf32>
        %get3A_560 = arith.constant 2 : i32
        %get3A_561 = arith.index_cast %get3A_560 : i32 to index
        %get3A_562 = arith.index_cast %scan3A_70 : i32 to index
        %get3A_563 = arith.constant 240 : index
        %get3A_564 = tpu.vector_load %arg10[%get3A_561, %get3A_562, %get3A_563] {strides = array<i32>} : memref<3x64x256xf32, #tpu.memory_space<vmem>>, vector<1x1x16xf32>,
        %get3A_565 = vector.shape_cast %get3A_564 : vector<1x1x16xf32> to vector<16xf32>
        %mul3A_566 = vector.broadcast %squeeze3A_78 : f32 to vector<16xf32>
        %mul3A_567 = arith.mulf %mul3A_566, %get3A_565 : vector<16xf32>
        %add3A_568 = arith.addf %add3A_559, %mul3A_567 : vector<16xf32>
        %swap3A_569 = arith.index_cast %scan3A_70 : i32 to index
        %swap3A_570 = arith.constant 240 : index
        %swap3A_571 = tpu.vector_load %arg11[%swap3A_569, %swap3A_570] {strides = array<i32>} : memref<64x256xf32, #tpu.memory_space<vmem>>, vector<1x16xf32>,
        %swap3A_572 = vector.shape_cast %swap3A_571 : vector<1x16xf32> to vector<16xf32>
        %swap3A_573 = vector.shape_cast %add3A_568 : vector<16xf32> to vector<1x16xf32>
        tpu.vector_store %arg11[%swap3A_569, %swap3A_570], %swap3A_573 {strides = array<i32>} : memref<64x256xf32, #tpu.memory_space<vmem>>, vector<1x16xf32>,
      }
      %scan3A_69 = arith.constant 64 : i32
      "tpu.region"() ({
        %run_scoped3A = tpu.sem_alloc : memref<!tpu.dma_semaphore, #tpu.memory_space<semaphore_mem>>
        %dma_start3A_70 = arith.constant 0 : i32
        %dma_start3A_71 = tpu.memref_slice %arg5[%add3A_11, %dma_start3A_70] : memref<16384x256xf32, #tpu.memory_space<hbm>> -> memref<64x256xf32, #tpu.memory_space<hbm>>
        %dma_start3A_72 = arith.constant 0 : i32
        %dma_start3A_73 = tpu.memref_slice %arg5[%add3A_11, %dma_start3A_72] : memref<16384x256xf32, #tpu.memory_space<hbm>> -> memref<64x256xf32, #tpu.memory_space<hbm>>
        tpu.enqueue_dma source(%arg11 : memref<64x256xf32, #tpu.memory_space<vmem>>) target(%dma_start3A_73 : memref<64x256xf32, #tpu.memory_space<hbm>>) target_semaphore(%run_scoped3A : memref<!tpu.dma_semaphore, #tpu.memory_space<semaphore_mem>>)
        %dma_wait3A_74 = arith.constant 0 : i32
        %dma_wait3A_75 = tpu.memref_slice %arg5[%add3A_11, %dma_wait3A_74] : memref<16384x256xf32, #tpu.memory_space<hbm>> -> memref<64x256xf32, #tpu.memory_space<hbm>>
        %dma_wait3A_76 = arith.constant 0 : i32
        %dma_wait3A_77 = tpu.memref_slice %arg5[%add3A_11, %dma_wait3A_76] : memref<16384x256xf32, #tpu.memory_space<hbm>> -> memref<64x256xf32, #tpu.memory_space<hbm>>
        tpu.wait_dma2 semaphore(%run_scoped3A : memref<!tpu.dma_semaphore, #tpu.memory_space<semaphore_mem>>) src(%arg11 : memref<64x256xf32, #tpu.memory_space<vmem>>) dst(%dma_wait3A_77 : memref<64x256xf32, #tpu.memory_space<hbm>>)
        tpu.yield
      }) : () -> ()
    }
    %scan3A_7 = arith.constant 8 : i32
    return
  }
}

module attributes {stable_mosaic.version = 14 : i64} {
  func.func @_stageA_kernel(%arg0: i32, %arg1: i32, %arg2: memref<1x3x1024xf32, #tpu.memory_space<vmem>>, %arg3: memref<1x3x1024xf32, #tpu.memory_space<vmem>>, %arg4: memref<3x1024xi32, #tpu.memory_space<vmem>>, %arg5: memref<1024x3xf32, #tpu.memory_space<vmem>>) attributes {dimension_semantics = [#tpu.dimension_semantics<arbitrary>, #tpu.dimension_semantics<arbitrary>], iteration_bounds = array<i64: 4, 4>, scalar_prefetch = 0 : i64, scratch_operands = 0 : i64, tpu.core_type = #tpu.core_type<tc>, window_params = [{transform_indices = @transform_0, window_bounds = array<i64: 1, 3, 1024>}, {transform_indices = @transform_1, window_bounds = array<i64: 1, 3, 1024>}, {transform_indices = @transform_2, window_bounds = array<i64: 3, 1024>}, {transform_indices = @transform_3, window_bounds = array<i64: 1024, 3>}]} {
    %get3A = arith.constant 0 : index
    %get3A_0 = arith.constant 0 : index
    %get3A_1 = arith.constant 0 : index
    %get3A_2 = vector.load %arg2[%get3A, %get3A_0, %get3A_1] : memref<1x3x1024xf32, #tpu.memory_space<vmem>>, vector<1x3x1024xf32>
    %get3A_3 = vector.shape_cast %get3A_2 : vector<1x3x1024xf32> to vector<3x1024xf32>
    %get3A_4 = arith.constant 0 : index
    %get3A_5 = arith.constant 0 : index
    %get3A_6 = arith.constant 0 : index
    %get3A_7 = vector.load %arg3[%get3A_4, %get3A_5, %get3A_6] : memref<1x3x1024xf32, #tpu.memory_space<vmem>>, vector<1x3x1024xf32>
    %get3A_8 = vector.shape_cast %get3A_7 : vector<1x3x1024xf32> to vector<3x1024xf32>
    %slice3A = vector.extract_strided_slice %get3A_8 {offsets = [0, 0], sizes = [1, 1024], strides = [1, 1]} : vector<3x1024xf32> to vector<1x1024xf32>
    %squeeze3A = vector.shape_cast %slice3A : vector<1x1024xf32> to vector<1024xf32>
    %broadcast_in_dim3A = vector.shape_cast %squeeze3A : vector<1024xf32> to vector<1024x1xf32>
    %slice3A_9 = vector.extract_strided_slice %get3A_3 {offsets = [0, 0], sizes = [1, 1024], strides = [1, 1]} : vector<3x1024xf32> to vector<1x1024xf32>
    %squeeze3A_10 = vector.shape_cast %slice3A_9 : vector<1x1024xf32> to vector<1024xf32>
    %broadcast_in_dim3A_11 = vector.shape_cast %squeeze3A_10 : vector<1024xf32> to vector<1x1024xf32>
    %sub3A = vector.broadcast %broadcast_in_dim3A : vector<1024x1xf32> to vector<1024x1024xf32>
    %sub3A_12 = vector.broadcast %broadcast_in_dim3A_11 : vector<1x1024xf32> to vector<1024x1024xf32>
    %sub3A_13 = arith.subf %sub3A, %sub3A_12 : vector<1024x1024xf32>
    %integer_pow3A = arith.mulf %sub3A_13, %sub3A_13 : vector<1024x1024xf32>
    %slice3A_14 = vector.extract_strided_slice %get3A_8 {offsets = [1, 0], sizes = [1, 1024], strides = [1, 1]} : vector<3x1024xf32> to vector<1x1024xf32>
    %squeeze3A_15 = vector.shape_cast %slice3A_14 : vector<1x1024xf32> to vector<1024xf32>
    %broadcast_in_dim3A_16 = vector.shape_cast %squeeze3A_15 : vector<1024xf32> to vector<1024x1xf32>
    %slice3A_17 = vector.extract_strided_slice %get3A_3 {offsets = [1, 0], sizes = [1, 1024], strides = [1, 1]} : vector<3x1024xf32> to vector<1x1024xf32>
    %squeeze3A_18 = vector.shape_cast %slice3A_17 : vector<1x1024xf32> to vector<1024xf32>
    %broadcast_in_dim3A_19 = vector.shape_cast %squeeze3A_18 : vector<1024xf32> to vector<1x1024xf32>
    %sub3A_20 = vector.broadcast %broadcast_in_dim3A_16 : vector<1024x1xf32> to vector<1024x1024xf32>
    %sub3A_21 = vector.broadcast %broadcast_in_dim3A_19 : vector<1x1024xf32> to vector<1024x1024xf32>
    %sub3A_22 = arith.subf %sub3A_20, %sub3A_21 : vector<1024x1024xf32>
    %integer_pow3A_23 = arith.mulf %sub3A_22, %sub3A_22 : vector<1024x1024xf32>
    %add3A = arith.addf %integer_pow3A, %integer_pow3A_23 : vector<1024x1024xf32>
    %slice3A_24 = vector.extract_strided_slice %get3A_8 {offsets = [2, 0], sizes = [1, 1024], strides = [1, 1]} : vector<3x1024xf32> to vector<1x1024xf32>
    %squeeze3A_25 = vector.shape_cast %slice3A_24 : vector<1x1024xf32> to vector<1024xf32>
    %broadcast_in_dim3A_26 = vector.shape_cast %squeeze3A_25 : vector<1024xf32> to vector<1024x1xf32>
    %slice3A_27 = vector.extract_strided_slice %get3A_3 {offsets = [2, 0], sizes = [1, 1024], strides = [1, 1]} : vector<3x1024xf32> to vector<1x1024xf32>
    %squeeze3A_28 = vector.shape_cast %slice3A_27 : vector<1x1024xf32> to vector<1024xf32>
    %broadcast_in_dim3A_29 = vector.shape_cast %squeeze3A_28 : vector<1024xf32> to vector<1x1024xf32>
    %sub3A_30 = vector.broadcast %broadcast_in_dim3A_26 : vector<1024x1xf32> to vector<1024x1024xf32>
    %sub3A_31 = vector.broadcast %broadcast_in_dim3A_29 : vector<1x1024xf32> to vector<1024x1024xf32>
    %sub3A_32 = arith.subf %sub3A_30, %sub3A_31 : vector<1024x1024xf32>
    %integer_pow3A_33 = arith.mulf %sub3A_32, %sub3A_32 : vector<1024x1024xf32>
    %add3A_34 = arith.addf %add3A, %integer_pow3A_33 : vector<1024x1024xf32>
    %max3A = arith.constant 1.000000e-10 : f32
    %max3A_35 = vector.broadcast %max3A : f32 to vector<1024x1024xf32>
    %max3A_36 = arith.maximumf %add3A_34, %max3A_35 : vector<1024x1024xf32>
    %reduce_min3A = arith.constant dense<0x7F800000> : vector<1024xf32>
    %reduce_min3A_37 = vector.multi_reduction <minimumf>, %max3A_36, %reduce_min3A [0] : vector<1024x1024xf32> to vector<1024xf32>
    %broadcast_in_dim3A_38 = vector.shape_cast %reduce_min3A_37 : vector<1024xf32> to vector<1x1024xf32>
    %le3A = vector.broadcast %broadcast_in_dim3A_38 : vector<1x1024xf32> to vector<1024x1024xf32>
    %le3A_39 = arith.cmpf ole, %max3A_36, %le3A : vector<1024x1024xf32>
    %jit3A = arith.constant 0x7F800000 : f32
    %broadcast_in_dim3A_40 = vector.broadcast %jit3A : f32 to vector<1024x1024xf32>
    %select_n3A = arith.select %le3A_39, %broadcast_in_dim3A_40, %max3A_36 : vector<1024x1024xi1>, vector<1024x1024xf32>
    %reduce_min3A_41 = arith.constant dense<0x7F800000> : vector<1024xf32>
    %reduce_min3A_42 = vector.multi_reduction <minimumf>, %select_n3A, %reduce_min3A_41 [0] : vector<1024x1024xf32> to vector<1024xf32>
    %broadcast_in_dim3A_43 = vector.shape_cast %reduce_min3A_42 : vector<1024xf32> to vector<1x1024xf32>
    %le3A_44 = vector.broadcast %broadcast_in_dim3A_43 : vector<1x1024xf32> to vector<1024x1024xf32>
    %le3A_45 = arith.cmpf ole, %select_n3A, %le3A_44 : vector<1024x1024xf32>
    %jit3A_46 = arith.constant 0x7F800000 : f32
    %broadcast_in_dim3A_47 = vector.broadcast %jit3A_46 : f32 to vector<1024x1024xf32>
    %select_n3A_48 = arith.select %le3A_45, %broadcast_in_dim3A_47, %select_n3A : vector<1024x1024xi1>, vector<1024x1024xf32>
    %reduce_min3A_49 = arith.constant dense<0x7F800000> : vector<1024xf32>
    %reduce_min3A_50 = vector.multi_reduction <minimumf>, %select_n3A_48, %reduce_min3A_49 [0] : vector<1024x1024xf32> to vector<1024xf32>
    %iota3A = tpu.iota {dimensions = array<i32: 0>} : vector<1024x1024xi32>
    %broadcast_in_dim3A_51 = vector.shape_cast %reduce_min3A_37 : vector<1024xf32> to vector<1x1024xf32>
    %eq3A = vector.broadcast %broadcast_in_dim3A_51 : vector<1x1024xf32> to vector<1024x1024xf32>
    %eq3A_52 = arith.cmpf oeq, %max3A_36, %eq3A : vector<1024x1024xf32>
    %jit3A_53 = arith.constant 1024 : i32
    %broadcast_in_dim3A_54 = vector.broadcast %jit3A_53 : i32 to vector<1024x1024xi32>
    %select_n3A_55 = arith.select %eq3A_52, %iota3A, %broadcast_in_dim3A_54 : vector<1024x1024xi1>, vector<1024x1024xi32>
    %reduce_min3A_56 = arith.constant dense<2147483647> : vector<1024xi32>
    %reduce_min3A_57 = vector.multi_reduction <minsi>, %select_n3A_55, %reduce_min3A_56 [0] : vector<1024x1024xi32> to vector<1024xi32>
    %broadcast_in_dim3A_58 = vector.shape_cast %reduce_min3A_42 : vector<1024xf32> to vector<1x1024xf32>
    %eq3A_59 = vector.broadcast %broadcast_in_dim3A_58 : vector<1x1024xf32> to vector<1024x1024xf32>
    %eq3A_60 = arith.cmpf oeq, %max3A_36, %eq3A_59 : vector<1024x1024xf32>
    %jit3A_61 = arith.constant 1024 : i32
    %broadcast_in_dim3A_62 = vector.broadcast %jit3A_61 : i32 to vector<1024x1024xi32>
    %select_n3A_63 = arith.select %eq3A_60, %iota3A, %broadcast_in_dim3A_62 : vector<1024x1024xi1>, vector<1024x1024xi32>
    %reduce_min3A_64 = arith.constant dense<2147483647> : vector<1024xi32>
    %reduce_min3A_65 = vector.multi_reduction <minsi>, %select_n3A_63, %reduce_min3A_64 [0] : vector<1024x1024xi32> to vector<1024xi32>
    %broadcast_in_dim3A_66 = vector.shape_cast %reduce_min3A_50 : vector<1024xf32> to vector<1x1024xf32>
    %eq3A_67 = vector.broadcast %broadcast_in_dim3A_66 : vector<1x1024xf32> to vector<1024x1024xf32>
    %eq3A_68 = arith.cmpf oeq, %max3A_36, %eq3A_67 : vector<1024x1024xf32>
    %jit3A_69 = arith.constant 1024 : i32
    %broadcast_in_dim3A_70 = vector.broadcast %jit3A_69 : i32 to vector<1024x1024xi32>
    %select_n3A_71 = arith.select %eq3A_68, %iota3A, %broadcast_in_dim3A_70 : vector<1024x1024xi1>, vector<1024x1024xi32>
    %reduce_min3A_72 = arith.constant dense<2147483647> : vector<1024xi32>
    %reduce_min3A_73 = vector.multi_reduction <minsi>, %select_n3A_71, %reduce_min3A_72 [0] : vector<1024x1024xi32> to vector<1024xi32>
    %stack3A = vector.shape_cast %reduce_min3A_57 : vector<1024xi32> to vector<1x1024xi32>
    %stack3A_74 = vector.shape_cast %reduce_min3A_65 : vector<1024xi32> to vector<1x1024xi32>
    %stack3A_75 = vector.shape_cast %reduce_min3A_73 : vector<1024xi32> to vector<1x1024xi32>
    %stack3A_76 = tpu.concatenate %stack3A, %stack3A_74, %stack3A_75 in 0 : vector<1x1024xi32>, vector<1x1024xi32>, vector<1x1024xi32> -> vector<3x1024xi32>
    %mul3A = arith.constant 1024 : i32
    %mul3A_77 = arith.muli %arg0, %mul3A : i32
    %add3A_78 = vector.broadcast %mul3A_77 : i32 to vector<3x1024xi32>
    %add3A_79 = arith.addi %stack3A_76, %add3A_78 : vector<3x1024xi32>
    %swap3A = arith.constant 0 : index
    %swap3A_80 = arith.constant 0 : index
    %swap3A_81 = vector.load %arg4[%swap3A, %swap3A_80] : memref<3x1024xi32, #tpu.memory_space<vmem>>, vector<3x1024xi32>
    tpu.vector_store %arg4[%swap3A, %swap3A_80], %add3A_79 {strides = array<i32>} : memref<3x1024xi32, #tpu.memory_space<vmem>>, vector<3x1024xi32>,
    %div3A = arith.constant 1.000000e+00 : f32
    %div3A_82 = vector.broadcast %div3A : f32 to vector<1024xf32>
    %div3A_83 = arith.divf %div3A_82, %reduce_min3A_37 : vector<1024xf32>
    %mul3A_84 = arith.mulf %reduce_min3A_37, %div3A_83 : vector<1024xf32>
    %sub3A_85 = arith.constant 2.000000e+00 : f32
    %sub3A_86 = vector.broadcast %sub3A_85 : f32 to vector<1024xf32>
    %sub3A_87 = arith.subf %sub3A_86, %mul3A_84 : vector<1024xf32>
    %mul3A_88 = arith.mulf %div3A_83, %sub3A_87 : vector<1024xf32>
    %mul3A_89 = arith.mulf %reduce_min3A_37, %mul3A_88 : vector<1024xf32>
    %sub3A_90 = arith.constant 2.000000e+00 : f32
    %sub3A_91 = vector.broadcast %sub3A_90 : f32 to vector<1024xf32>
    %sub3A_92 = arith.subf %sub3A_91, %mul3A_89 : vector<1024xf32>
    %mul3A_93 = arith.mulf %mul3A_88, %sub3A_92 : vector<1024xf32>
    %div3A_94 = arith.constant 1.000000e+00 : f32
    %div3A_95 = vector.broadcast %div3A_94 : f32 to vector<1024xf32>
    %div3A_96 = arith.divf %div3A_95, %reduce_min3A_42 : vector<1024xf32>
    %mul3A_97 = arith.mulf %reduce_min3A_42, %div3A_96 : vector<1024xf32>
    %sub3A_98 = arith.constant 2.000000e+00 : f32
    %sub3A_99 = vector.broadcast %sub3A_98 : f32 to vector<1024xf32>
    %sub3A_100 = arith.subf %sub3A_99, %mul3A_97 : vector<1024xf32>
    %mul3A_101 = arith.mulf %div3A_96, %sub3A_100 : vector<1024xf32>
    %mul3A_102 = arith.mulf %reduce_min3A_42, %mul3A_101 : vector<1024xf32>
    %sub3A_103 = arith.constant 2.000000e+00 : f32
    %sub3A_104 = vector.broadcast %sub3A_103 : f32 to vector<1024xf32>
    %sub3A_105 = arith.subf %sub3A_104, %mul3A_102 : vector<1024xf32>
    %mul3A_106 = arith.mulf %mul3A_101, %sub3A_105 : vector<1024xf32>
    %div3A_107 = arith.constant 1.000000e+00 : f32
    %div3A_108 = vector.broadcast %div3A_107 : f32 to vector<1024xf32>
    %div3A_109 = arith.divf %div3A_108, %reduce_min3A_50 : vector<1024xf32>
    %mul3A_110 = arith.mulf %reduce_min3A_50, %div3A_109 : vector<1024xf32>
    %sub3A_111 = arith.constant 2.000000e+00 : f32
    %sub3A_112 = vector.broadcast %sub3A_111 : f32 to vector<1024xf32>
    %sub3A_113 = arith.subf %sub3A_112, %mul3A_110 : vector<1024xf32>
    %mul3A_114 = arith.mulf %div3A_109, %sub3A_113 : vector<1024xf32>
    %mul3A_115 = arith.mulf %reduce_min3A_50, %mul3A_114 : vector<1024xf32>
    %sub3A_116 = arith.constant 2.000000e+00 : f32
    %sub3A_117 = vector.broadcast %sub3A_116 : f32 to vector<1024xf32>
    %sub3A_118 = arith.subf %sub3A_117, %mul3A_115 : vector<1024xf32>
    %mul3A_119 = arith.mulf %mul3A_114, %sub3A_118 : vector<1024xf32>
    %add3A_120 = arith.addf %mul3A_93, %mul3A_106 : vector<1024xf32>
    %add3A_121 = arith.addf %add3A_120, %mul3A_119 : vector<1024xf32>
    %div3A_122 = arith.constant 1.000000e+00 : f32
    %div3A_123 = vector.broadcast %div3A_122 : f32 to vector<1024xf32>
    %div3A_124 = arith.divf %div3A_123, %add3A_121 : vector<1024xf32>
    %mul3A_125 = arith.mulf %add3A_121, %div3A_124 : vector<1024xf32>
    %sub3A_126 = arith.constant 2.000000e+00 : f32
    %sub3A_127 = vector.broadcast %sub3A_126 : f32 to vector<1024xf32>
    %sub3A_128 = arith.subf %sub3A_127, %mul3A_125 : vector<1024xf32>
    %mul3A_129 = arith.mulf %div3A_124, %sub3A_128 : vector<1024xf32>
    %mul3A_130 = arith.mulf %add3A_121, %mul3A_129 : vector<1024xf32>
    %sub3A_131 = arith.constant 2.000000e+00 : f32
    %sub3A_132 = vector.broadcast %sub3A_131 : f32 to vector<1024xf32>
    %sub3A_133 = arith.subf %sub3A_132, %mul3A_130 : vector<1024xf32>
    %mul3A_134 = arith.mulf %mul3A_129, %sub3A_133 : vector<1024xf32>
    %mul3A_135 = arith.mulf %mul3A_93, %mul3A_134 : vector<1024xf32>
    %mul3A_136 = arith.mulf %mul3A_106, %mul3A_134 : vector<1024xf32>
    %mul3A_137 = arith.mulf %mul3A_119, %mul3A_134 : vector<1024xf32>
    %stack3A_138 = vector.shape_cast %mul3A_135 : vector<1024xf32> to vector<1024x1xf32>
    %stack3A_139 = vector.shape_cast %mul3A_136 : vector<1024xf32> to vector<1024x1xf32>
    %stack3A_140 = vector.shape_cast %mul3A_137 : vector<1024xf32> to vector<1024x1xf32>
    %stack3A_141 = tpu.concatenate %stack3A_138, %stack3A_139, %stack3A_140 in 1 : vector<1024x1xf32>, vector<1024x1xf32>, vector<1024x1xf32> -> vector<1024x3xf32>
    %swap3A_142 = arith.constant 0 : index
    %swap3A_143 = arith.constant 0 : index
    %swap3A_144 = vector.load %arg5[%swap3A_142, %swap3A_143] : memref<1024x3xf32, #tpu.memory_space<vmem>>, vector<1024x3xf32>
    tpu.vector_store %arg5[%swap3A_142, %swap3A_143], %stack3A_141 {strides = array<i32>} : memref<1024x3xf32, #tpu.memory_space<vmem>>, vector<1024x3xf32>,
    return
  }
  func.func @transform_0(%arg0: i32, %arg1: i32) -> (i32, i32, i32) {
    %c0_i32 = arith.constant 0 : i32
    %c0_i32_0 = arith.constant 0 : i32
    return %arg0, %c0_i32, %arg1 : i32, i32, i32
  }
  func.func @transform_1(%arg0: i32, %arg1: i32) -> (i32, i32, i32) {
    %c0_i32 = arith.constant 0 : i32
    %c0_i32_0 = arith.constant 0 : i32
    %c0_i32_1 = arith.constant 0 : i32
    return %arg0, %c0_i32, %c0_i32_0 : i32, i32, i32
  }
  func.func @transform_2(%arg0: i32, %arg1: i32) -> (i32, i32) {
    %mul3A = arith.constant 4 : i32
    %mul3A_0 = arith.muli %arg0, %mul3A : i32
    %add3A = arith.addi %mul3A_0, %arg1 : i32
    %c0_i32 = arith.constant 0 : i32
    %c0_i32_1 = arith.constant 0 : i32
    return %c0_i32, %add3A : i32, i32
  }
  func.func @transform_3(%arg0: i32, %arg1: i32) -> (i32, i32) {
    %mul3A = arith.constant 4 : i32
    %mul3A_0 = arith.muli %arg0, %mul3A : i32
    %add3A = arith.addi %mul3A_0, %arg1 : i32
    %c0_i32 = arith.constant 0 : i32
    %c0_i32_1 = arith.constant 0 : i32
    return %add3A, %c0_i32 : i32, i32
  }
}

module attributes {stable_mosaic.version = 14 : i64} {
  func.func @_stageAp_kernel(%arg0: i32, %arg1: i32, %arg2: memref<1x128x2048xf32, #tpu.memory_space<vmem>>, %arg3: memref<1x2048x256xf32, #tpu.memory_space<vmem>>, %arg4: memref<256x128xf32, #tpu.memory_space<vmem>>, %arg5: memref<256x256xf32, #tpu.memory_space<vmem>>, %arg6: memref<256x1xf32, #tpu.memory_space<vmem>>, %arg7: memref<1x256x2048xf32, #tpu.memory_space<vmem>>, %arg8: memref<256x1xf32, #tpu.memory_space<vmem>>, %arg9: memref<256x1xf32, #tpu.memory_space<vmem>>) attributes {dimension_semantics = [#tpu.dimension_semantics<arbitrary>, #tpu.dimension_semantics<arbitrary>], iteration_bounds = array<i64: 4, 2>, scalar_prefetch = 0 : i64, scratch_operands = 0 : i64, tpu.core_type = #tpu.core_type<tc>, window_params = [{transform_indices = @transform_0, window_bounds = array<i64: 1, 128, 2048>}, {transform_indices = @transform_1, window_bounds = array<i64: 1, 2048, 256>}, {pipeline_mode = #tpu.pipeline_mode<synchronous>, transform_indices = @transform_2, window_bounds = array<i64: 256, 128>}, {pipeline_mode = #tpu.pipeline_mode<synchronous>, transform_indices = @transform_3, window_bounds = array<i64: 256, 256>}, {pipeline_mode = #tpu.pipeline_mode<synchronous>, transform_indices = @transform_4, window_bounds = array<i64: 256, 1>}, {transform_indices = @transform_5, window_bounds = array<i64: 1, 256, 2048>}, {pipeline_mode = #tpu.pipeline_mode<synchronous>, transform_indices = @transform_6, window_bounds = array<i64: 256, 1>}, {pipeline_mode = #tpu.pipeline_mode<synchronous>, transform_indices = @transform_7, window_bounds = array<i64: 256, 1>}]} {
    %eq3A = arith.constant 0 : i32
    %eq3A_0 = arith.cmpi eq, %arg0, %eq3A : i32
    %eq3A_1 = arith.constant 0 : i32
    %eq3A_2 = arith.cmpi eq, %arg1, %eq3A_1 : i32
    %and3A = arith.andi %eq3A_0, %eq3A_2 : i1
    %convert_element_type3A = arith.extui %and3A : i1 to i32
    %cond3A = arith.constant 0 : i32
    %cond3A_3 = arith.cmpi ne, %convert_element_type3A, %cond3A : i32
    scf.if %cond3A_3 {
      %broadcast_in_dim3A_50 = arith.constant 0.000000e+00 : f32
      %broadcast_in_dim3A_51 = vector.broadcast %broadcast_in_dim3A_50 : f32 to vector<256x1xf32>
      %swap3A_52 = arith.constant 0 : index
      %swap3A_53 = arith.constant 0 : index
      %swap3A_54 = vector.load %arg8[%swap3A_52, %swap3A_53] : memref<256x1xf32, #tpu.memory_space<vmem>>, vector<256x1xf32>
      tpu.vector_store %arg8[%swap3A_52, %swap3A_53], %broadcast_in_dim3A_51 {strides = array<i32>} : memref<256x1xf32, #tpu.memory_space<vmem>>, vector<256x1xf32>,
      %broadcast_in_dim3A_55 = arith.constant 0.000000e+00 : f32
      %broadcast_in_dim3A_56 = vector.broadcast %broadcast_in_dim3A_55 : f32 to vector<256x1xf32>
      %swap3A_57 = arith.constant 0 : index
      %swap3A_58 = arith.constant 0 : index
      %swap3A_59 = vector.load %arg9[%swap3A_57, %swap3A_58] : memref<256x1xf32, #tpu.memory_space<vmem>>, vector<256x1xf32>
      tpu.vector_store %arg9[%swap3A_57, %swap3A_58], %broadcast_in_dim3A_56 {strides = array<i32>} : memref<256x1xf32, #tpu.memory_space<vmem>>, vector<256x1xf32>,
    } else {
    }
    %get3A = arith.constant 0 : index
    %get3A_4 = arith.constant 0 : index
    %get3A_5 = vector.load %arg4[%get3A, %get3A_4] : memref<256x128xf32, #tpu.memory_space<vmem>>, vector<256x128xf32>
    %get3A_6 = arith.constant 0 : index
    %get3A_7 = arith.constant 0 : index
    %get3A_8 = arith.constant 0 : index
    %get3A_9 = vector.load %arg2[%get3A_6, %get3A_7, %get3A_8] : memref<1x128x2048xf32, #tpu.memory_space<vmem>>, vector<1x128x2048xf32>
    %get3A_10 = vector.shape_cast %get3A_9 : vector<1x128x2048xf32> to vector<128x2048xf32>
    %dot_general3A = arith.constant dense<0.000000e+00> : vector<256x2048xf32>
    %dot_general3A_11 = tpu.matmul %get3A_5, %get3A_10, %dot_general3A {dimension_numbers = #tpu.dot_dimension_numbers<[1], [0], [0], [1], [0, 0, 1, 1], [], []>, transpose_lhs_hint = false} : vector<256x128xf32>, vector<128x2048xf32>, vector<256x2048xf32> -> vector<256x2048xf32>
    %get3A_12 = arith.constant 0 : index
    %get3A_13 = arith.constant 0 : index
    %get3A_14 = vector.load %arg5[%get3A_12, %get3A_13] : memref<256x256xf32, #tpu.memory_space<vmem>>, vector<256x256xf32>
    %get3A_15 = arith.constant 0 : index
    %get3A_16 = arith.constant 0 : index
    %get3A_17 = arith.constant 0 : index
    %get3A_18 = vector.load %arg3[%get3A_15, %get3A_16, %get3A_17] : memref<1x2048x256xf32, #tpu.memory_space<vmem>>, vector<1x2048x256xf32>
    %get3A_19 = vector.shape_cast %get3A_18 : vector<1x2048x256xf32> to vector<2048x256xf32>
    %dot_general3A_20 = arith.constant dense<0.000000e+00> : vector<256x2048xf32>
    %dot_general3A_21 = tpu.matmul %get3A_14, %get3A_19, %dot_general3A_20 {dimension_numbers = #tpu.dot_dimension_numbers<[1], [1], [0], [0], [0, 0, 1, 0], [], []>, transpose_lhs_hint = false} : vector<256x256xf32>, vector<2048x256xf32>, vector<256x2048xf32> -> vector<256x2048xf32>
    %add3A = arith.addf %dot_general3A_11, %dot_general3A_21 : vector<256x2048xf32>
    %get3A_22 = arith.constant 0 : index
    %get3A_23 = arith.constant 0 : index
    %get3A_24 = vector.load %arg6[%get3A_22, %get3A_23] : memref<256x1xf32, #tpu.memory_space<vmem>>, vector<256x1xf32>
    %add3A_25 = vector.broadcast %get3A_24 : vector<256x1xf32> to vector<256x2048xf32>
    %add3A_26 = arith.addf %add3A, %add3A_25 : vector<256x2048xf32>
    %swap3A = arith.constant 0 : index
    %swap3A_27 = arith.constant 0 : index
    %swap3A_28 = arith.constant 0 : index
    %swap3A_29 = vector.load %arg7[%swap3A, %swap3A_27, %swap3A_28] : memref<1x256x2048xf32, #tpu.memory_space<vmem>>, vector<1x256x2048xf32>
    %swap3A_30 = vector.shape_cast %swap3A_29 : vector<1x256x2048xf32> to vector<256x2048xf32>
    %swap3A_31 = vector.shape_cast %add3A_26 : vector<256x2048xf32> to vector<1x256x2048xf32>
    tpu.vector_store %arg7[%swap3A, %swap3A_27, %swap3A_28], %swap3A_31 {strides = array<i32>} : memref<1x256x2048xf32, #tpu.memory_space<vmem>>, vector<1x256x2048xf32>,
    %get3A_32 = arith.constant 0 : index
    %get3A_33 = arith.constant 0 : index
    %get3A_34 = vector.load %arg8[%get3A_32, %get3A_33] : memref<256x1xf32, #tpu.memory_space<vmem>>, vector<256x1xf32>
    %reduce_sum3A = arith.constant dense<0.000000e+00> : vector<256xf32>
    %reduce_sum3A_35 = vector.multi_reduction <add>, %add3A_26, %reduce_sum3A [1] : vector<256x2048xf32> to vector<256xf32>
    %broadcast_in_dim3A = vector.shape_cast %reduce_sum3A_35 : vector<256xf32> to vector<256x1xf32>
    %add3A_36 = arith.addf %get3A_34, %broadcast_in_dim3A : vector<256x1xf32>
    %swap3A_37 = arith.constant 0 : index
    %swap3A_38 = arith.constant 0 : index
    %swap3A_39 = vector.load %arg8[%swap3A_37, %swap3A_38] : memref<256x1xf32, #tpu.memory_space<vmem>>, vector<256x1xf32>
    tpu.vector_store %arg8[%swap3A_37, %swap3A_38], %add3A_36 {strides = array<i32>} : memref<256x1xf32, #tpu.memory_space<vmem>>, vector<256x1xf32>,
    %get3A_40 = arith.constant 0 : index
    %get3A_41 = arith.constant 0 : index
    %get3A_42 = vector.load %arg9[%get3A_40, %get3A_41] : memref<256x1xf32, #tpu.memory_space<vmem>>, vector<256x1xf32>
    %mul3A = arith.mulf %add3A_26, %add3A_26 : vector<256x2048xf32>
    %reduce_sum3A_43 = arith.constant dense<0.000000e+00> : vector<256xf32>
    %reduce_sum3A_44 = vector.multi_reduction <add>, %mul3A, %reduce_sum3A_43 [1] : vector<256x2048xf32> to vector<256xf32>
    %broadcast_in_dim3A_45 = vector.shape_cast %reduce_sum3A_44 : vector<256xf32> to vector<256x1xf32>
    %add3A_46 = arith.addf %get3A_42, %broadcast_in_dim3A_45 : vector<256x1xf32>
    %swap3A_47 = arith.constant 0 : index
    %swap3A_48 = arith.constant 0 : index
    %swap3A_49 = vector.load %arg9[%swap3A_47, %swap3A_48] : memref<256x1xf32, #tpu.memory_space<vmem>>, vector<256x1xf32>
    tpu.vector_store %arg9[%swap3A_47, %swap3A_48], %add3A_46 {strides = array<i32>} : memref<256x1xf32, #tpu.memory_space<vmem>>, vector<256x1xf32>,
    return
  }
  func.func @transform_0(%arg0: i32, %arg1: i32) -> (i32, i32, i32) {
    %c0_i32 = arith.constant 0 : i32
    %c0_i32_0 = arith.constant 0 : i32
    return %arg0, %c0_i32, %arg1 : i32, i32, i32
  }
  func.func @transform_1(%arg0: i32, %arg1: i32) -> (i32, i32, i32) {
    %c0_i32 = arith.constant 0 : i32
    %c0_i32_0 = arith.constant 0 : i32
    return %arg0, %arg1, %c0_i32 : i32, i32, i32
  }
  func.func @transform_2(%arg0: i32, %arg1: i32) -> (i32, i32) {
    %c0_i32 = arith.constant 0 : i32
    %c0_i32_0 = arith.constant 0 : i32
    %c0_i32_1 = arith.constant 0 : i32
    return %c0_i32, %c0_i32_0 : i32, i32
  }
  func.func @transform_3(%arg0: i32, %arg1: i32) -> (i32, i32) {
    %c0_i32 = arith.constant 0 : i32
    %c0_i32_0 = arith.constant 0 : i32
    %c0_i32_1 = arith.constant 0 : i32
    return %c0_i32, %c0_i32_0 : i32, i32
  }
  func.func @transform_4(%arg0: i32, %arg1: i32) -> (i32, i32) {
    %c0_i32 = arith.constant 0 : i32
    %c0_i32_0 = arith.constant 0 : i32
    %c0_i32_1 = arith.constant 0 : i32
    return %c0_i32, %c0_i32_0 : i32, i32
  }
  func.func @transform_5(%arg0: i32, %arg1: i32) -> (i32, i32, i32) {
    %c0_i32 = arith.constant 0 : i32
    %c0_i32_0 = arith.constant 0 : i32
    return %arg0, %c0_i32, %arg1 : i32, i32, i32
  }
  func.func @transform_6(%arg0: i32, %arg1: i32) -> (i32, i32) {
    %c0_i32 = arith.constant 0 : i32
    %c0_i32_0 = arith.constant 0 : i32
    %c0_i32_1 = arith.constant 0 : i32
    return %c0_i32, %c0_i32_0 : i32, i32
  }
  func.func @transform_7(%arg0: i32, %arg1: i32) -> (i32, i32) {
    %c0_i32 = arith.constant 0 : i32
    %c0_i32_0 = arith.constant 0 : i32
    %c0_i32_1 = arith.constant 0 : i32
    return %c0_i32, %c0_i32_0 : i32, i32
  }
}

module attributes {stable_mosaic.version = 14 : i64} {
  func.func @_stage2_kernel(%arg0: i32, %arg1: i32, %arg2: memref<1x256x2048xf32, #tpu.memory_space<vmem>>, %arg3: memref<128x256xf32, #tpu.memory_space<vmem>>, %arg4: memref<256x1xf32, #tpu.memory_space<vmem>>, %arg5: memref<256x1xf32, #tpu.memory_space<vmem>>, %arg6: memref<128x1xf32, #tpu.memory_space<vmem>>, %arg7: memref<256x1xf32, #tpu.memory_space<vmem>>, %arg8: memref<256x1xf32, #tpu.memory_space<vmem>>, %arg9: memref<1x128x2048xf32, #tpu.memory_space<vmem>>, %arg10: memref<128x1xf32, #tpu.memory_space<vmem>>, %arg11: memref<128x1xf32, #tpu.memory_space<vmem>>) attributes {dimension_semantics = [#tpu.dimension_semantics<arbitrary>, #tpu.dimension_semantics<arbitrary>], iteration_bounds = array<i64: 4, 2>, scalar_prefetch = 0 : i64, scratch_operands = 0 : i64, tpu.core_type = #tpu.core_type<tc>, window_params = [{transform_indices = @transform_0, window_bounds = array<i64: 1, 256, 2048>}, {pipeline_mode = #tpu.pipeline_mode<synchronous>, transform_indices = @transform_1, window_bounds = array<i64: 128, 256>}, {pipeline_mode = #tpu.pipeline_mode<synchronous>, transform_indices = @transform_2, window_bounds = array<i64: 256, 1>}, {pipeline_mode = #tpu.pipeline_mode<synchronous>, transform_indices = @transform_3, window_bounds = array<i64: 256, 1>}, {pipeline_mode = #tpu.pipeline_mode<synchronous>, transform_indices = @transform_4, window_bounds = array<i64: 128, 1>}, {pipeline_mode = #tpu.pipeline_mode<synchronous>, transform_indices = @transform_5, window_bounds = array<i64: 256, 1>}, {pipeline_mode = #tpu.pipeline_mode<synchronous>, transform_indices = @transform_6, window_bounds = array<i64: 256, 1>}, {transform_indices = @transform_7, window_bounds = array<i64: 1, 128, 2048>}, {pipeline_mode = #tpu.pipeline_mode<synchronous>, transform_indices = @transform_8, window_bounds = array<i64: 128, 1>}, {pipeline_mode = #tpu.pipeline_mode<synchronous>, transform_indices = @transform_9, window_bounds = array<i64: 128, 1>}]} {
    %eq3A = arith.constant 0 : i32
    %eq3A_0 = arith.cmpi eq, %arg0, %eq3A : i32
    %eq3A_1 = arith.constant 0 : i32
    %eq3A_2 = arith.cmpi eq, %arg1, %eq3A_1 : i32
    %and3A = arith.andi %eq3A_0, %eq3A_2 : i1
    %convert_element_type3A = arith.extui %and3A : i1 to i32
    %cond3A = arith.constant 0 : i32
    %cond3A_3 = arith.cmpi ne, %convert_element_type3A, %cond3A : i32
    scf.if %cond3A_3 {
      %broadcast_in_dim3A_88 = arith.constant 0.000000e+00 : f32
      %broadcast_in_dim3A_89 = vector.broadcast %broadcast_in_dim3A_88 : f32 to vector<128x1xf32>
      %swap3A_90 = arith.constant 0 : index
      %swap3A_91 = arith.constant 0 : index
      %swap3A_92 = vector.load %arg10[%swap3A_90, %swap3A_91] : memref<128x1xf32, #tpu.memory_space<vmem>>, vector<128x1xf32>
      tpu.vector_store %arg10[%swap3A_90, %swap3A_91], %broadcast_in_dim3A_89 {strides = array<i32>} : memref<128x1xf32, #tpu.memory_space<vmem>>, vector<128x1xf32>,
      %broadcast_in_dim3A_93 = arith.constant 0.000000e+00 : f32
      %broadcast_in_dim3A_94 = vector.broadcast %broadcast_in_dim3A_93 : f32 to vector<128x1xf32>
      %swap3A_95 = arith.constant 0 : index
      %swap3A_96 = arith.constant 0 : index
      %swap3A_97 = vector.load %arg11[%swap3A_95, %swap3A_96] : memref<128x1xf32, #tpu.memory_space<vmem>>, vector<128x1xf32>
      tpu.vector_store %arg11[%swap3A_95, %swap3A_96], %broadcast_in_dim3A_94 {strides = array<i32>} : memref<128x1xf32, #tpu.memory_space<vmem>>, vector<128x1xf32>,
    } else {
    }
    %get3A = arith.constant 0 : index
    %get3A_4 = arith.constant 0 : index
    %get3A_5 = vector.load %arg7[%get3A, %get3A_4] : memref<256x1xf32, #tpu.memory_space<vmem>>, vector<256x1xf32>
    %mul3A = arith.constant 6.10351563E-5 : f32
    %mul3A_6 = vector.broadcast %mul3A : f32 to vector<256x1xf32>
    %mul3A_7 = arith.mulf %get3A_5, %mul3A_6 : vector<256x1xf32>
    %get3A_8 = arith.constant 0 : index
    %get3A_9 = arith.constant 0 : index
    %get3A_10 = vector.load %arg8[%get3A_8, %get3A_9] : memref<256x1xf32, #tpu.memory_space<vmem>>, vector<256x1xf32>
    %mul3A_11 = arith.constant 6.10351563E-5 : f32
    %mul3A_12 = vector.broadcast %mul3A_11 : f32 to vector<256x1xf32>
    %mul3A_13 = arith.mulf %get3A_10, %mul3A_12 : vector<256x1xf32>
    %mul3A_14 = arith.mulf %mul3A_7, %mul3A_7 : vector<256x1xf32>
    %sub3A = arith.subf %mul3A_13, %mul3A_14 : vector<256x1xf32>
    %get3A_15 = arith.constant 0 : index
    %get3A_16 = arith.constant 0 : index
    %get3A_17 = vector.load %arg4[%get3A_15, %get3A_16] : memref<256x1xf32, #tpu.memory_space<vmem>>, vector<256x1xf32>
    %add3A = arith.constant 9.99999974E-6 : f32
    %add3A_18 = vector.broadcast %add3A : f32 to vector<256x1xf32>
    %add3A_19 = arith.addf %sub3A, %add3A_18 : vector<256x1xf32>
    %rsqrt3A = math.rsqrt %add3A_19 : vector<256x1xf32>
    %mul3A_20 = arith.constant 5.000000e-01 : f32
    %mul3A_21 = vector.broadcast %mul3A_20 : f32 to vector<256x1xf32>
    %mul3A_22 = arith.mulf %mul3A_21, %add3A_19 : vector<256x1xf32>
    %mul3A_23 = arith.mulf %mul3A_22, %rsqrt3A : vector<256x1xf32>
    %mul3A_24 = arith.mulf %mul3A_23, %rsqrt3A : vector<256x1xf32>
    %sub3A_25 = arith.constant 1.500000e+00 : f32
    %sub3A_26 = vector.broadcast %sub3A_25 : f32 to vector<256x1xf32>
    %sub3A_27 = arith.subf %sub3A_26, %mul3A_24 : vector<256x1xf32>
    %mul3A_28 = arith.mulf %rsqrt3A, %sub3A_27 : vector<256x1xf32>
    %mul3A_29 = arith.constant 5.000000e-01 : f32
    %mul3A_30 = vector.broadcast %mul3A_29 : f32 to vector<256x1xf32>
    %mul3A_31 = arith.mulf %mul3A_30, %add3A_19 : vector<256x1xf32>
    %mul3A_32 = arith.mulf %mul3A_31, %mul3A_28 : vector<256x1xf32>
    %mul3A_33 = arith.mulf %mul3A_32, %mul3A_28 : vector<256x1xf32>
    %sub3A_34 = arith.constant 1.500000e+00 : f32
    %sub3A_35 = vector.broadcast %sub3A_34 : f32 to vector<256x1xf32>
    %sub3A_36 = arith.subf %sub3A_35, %mul3A_33 : vector<256x1xf32>
    %mul3A_37 = arith.mulf %mul3A_28, %sub3A_36 : vector<256x1xf32>
    %mul3A_38 = arith.mulf %get3A_17, %mul3A_37 : vector<256x1xf32>
    %get3A_39 = arith.constant 0 : index
    %get3A_40 = arith.constant 0 : index
    %get3A_41 = arith.constant 0 : index
    %get3A_42 = vector.load %arg2[%get3A_39, %get3A_40, %get3A_41] : memref<1x256x2048xf32, #tpu.memory_space<vmem>>, vector<1x256x2048xf32>
    %get3A_43 = vector.shape_cast %get3A_42 : vector<1x256x2048xf32> to vector<256x2048xf32>
    %sub3A_44 = vector.broadcast %mul3A_7 : vector<256x1xf32> to vector<256x2048xf32>
    %sub3A_45 = arith.subf %get3A_43, %sub3A_44 : vector<256x2048xf32>
    %mul3A_46 = vector.broadcast %mul3A_38 : vector<256x1xf32> to vector<256x2048xf32>
    %mul3A_47 = arith.mulf %sub3A_45, %mul3A_46 : vector<256x2048xf32>
    %get3A_48 = arith.constant 0 : index
    %get3A_49 = arith.constant 0 : index
    %get3A_50 = vector.load %arg5[%get3A_48, %get3A_49] : memref<256x1xf32, #tpu.memory_space<vmem>>, vector<256x1xf32>
    %add3A_51 = vector.broadcast %get3A_50 : vector<256x1xf32> to vector<256x2048xf32>
    %add3A_52 = arith.addf %mul3A_47, %add3A_51 : vector<256x2048xf32>
    %max3A = arith.constant 0.000000e+00 : f32
    %max3A_53 = vector.broadcast %max3A : f32 to vector<256x2048xf32>
    %max3A_54 = arith.maximumf %add3A_52, %max3A_53 : vector<256x2048xf32>
    %get3A_55 = arith.constant 0 : index
    %get3A_56 = arith.constant 0 : index
    %get3A_57 = vector.load %arg3[%get3A_55, %get3A_56] : memref<128x256xf32, #tpu.memory_space<vmem>>, vector<128x256xf32>
    %dot_general3A = arith.constant dense<0.000000e+00> : vector<128x2048xf32>
    %dot_general3A_58 = tpu.matmul %get3A_57, %max3A_54, %dot_general3A {dimension_numbers = #tpu.dot_dimension_numbers<[1], [0], [0], [1], [0, 0, 1, 1], [], []>, transpose_lhs_hint = false} : vector<128x256xf32>, vector<256x2048xf32>, vector<128x2048xf32> -> vector<128x2048xf32>
    %get3A_59 = arith.constant 0 : index
    %get3A_60 = arith.constant 0 : index
    %get3A_61 = vector.load %arg6[%get3A_59, %get3A_60] : memref<128x1xf32, #tpu.memory_space<vmem>>, vector<128x1xf32>
    %add3A_62 = vector.broadcast %get3A_61 : vector<128x1xf32> to vector<128x2048xf32>
    %add3A_63 = arith.addf %dot_general3A_58, %add3A_62 : vector<128x2048xf32>
    %swap3A = arith.constant 0 : index
    %swap3A_64 = arith.constant 0 : index
    %swap3A_65 = arith.constant 0 : index
    %swap3A_66 = vector.load %arg9[%swap3A, %swap3A_64, %swap3A_65] : memref<1x128x2048xf32, #tpu.memory_space<vmem>>, vector<1x128x2048xf32>
    %swap3A_67 = vector.shape_cast %swap3A_66 : vector<1x128x2048xf32> to vector<128x2048xf32>
    %swap3A_68 = vector.shape_cast %add3A_63 : vector<128x2048xf32> to vector<1x128x2048xf32>
    tpu.vector_store %arg9[%swap3A, %swap3A_64, %swap3A_65], %swap3A_68 {strides = array<i32>} : memref<1x128x2048xf32, #tpu.memory_space<vmem>>, vector<1x128x2048xf32>,
    %get3A_69 = arith.constant 0 : index
    %get3A_70 = arith.constant 0 : index
    %get3A_71 = vector.load %arg10[%get3A_69, %get3A_70] : memref<128x1xf32, #tpu.memory_space<vmem>>, vector<128x1xf32>
    %reduce_sum3A = arith.constant dense<0.000000e+00> : vector<128xf32>
    %reduce_sum3A_72 = vector.multi_reduction <add>, %add3A_63, %reduce_sum3A [1] : vector<128x2048xf32> to vector<128xf32>
    %broadcast_in_dim3A = vector.shape_cast %reduce_sum3A_72 : vector<128xf32> to vector<128x1xf32>
    %add3A_73 = arith.addf %get3A_71, %broadcast_in_dim3A : vector<128x1xf32>
    %swap3A_74 = arith.constant 0 : index
    %swap3A_75 = arith.constant 0 : index
    %swap3A_76 = vector.load %arg10[%swap3A_74, %swap3A_75] : memref<128x1xf32, #tpu.memory_space<vmem>>, vector<128x1xf32>
    tpu.vector_store %arg10[%swap3A_74, %swap3A_75], %add3A_73 {strides = array<i32>} : memref<128x1xf32, #tpu.memory_space<vmem>>, vector<128x1xf32>,
    %get3A_77 = arith.constant 0 : index
    %get3A_78 = arith.constant 0 : index
    %get3A_79 = vector.load %arg11[%get3A_77, %get3A_78] : memref<128x1xf32, #tpu.memory_space<vmem>>, vector<128x1xf32>
    %mul3A_80 = arith.mulf %add3A_63, %add3A_63 : vector<128x2048xf32>
    %reduce_sum3A_81 = arith.constant dense<0.000000e+00> : vector<128xf32>
    %reduce_sum3A_82 = vector.multi_reduction <add>, %mul3A_80, %reduce_sum3A_81 [1] : vector<128x2048xf32> to vector<128xf32>
    %broadcast_in_dim3A_83 = vector.shape_cast %reduce_sum3A_82 : vector<128xf32> to vector<128x1xf32>
    %add3A_84 = arith.addf %get3A_79, %broadcast_in_dim3A_83 : vector<128x1xf32>
    %swap3A_85 = arith.constant 0 : index
    %swap3A_86 = arith.constant 0 : index
    %swap3A_87 = vector.load %arg11[%swap3A_85, %swap3A_86] : memref<128x1xf32, #tpu.memory_space<vmem>>, vector<128x1xf32>
    tpu.vector_store %arg11[%swap3A_85, %swap3A_86], %add3A_84 {strides = array<i32>} : memref<128x1xf32, #tpu.memory_space<vmem>>, vector<128x1xf32>,
    return
  }
  func.func @transform_0(%arg0: i32, %arg1: i32) -> (i32, i32, i32) {
    %c0_i32 = arith.constant 0 : i32
    %c0_i32_0 = arith.constant 0 : i32
    return %arg0, %c0_i32, %arg1 : i32, i32, i32
  }
  func.func @transform_1(%arg0: i32, %arg1: i32) -> (i32, i32) {
    %c0_i32 = arith.constant 0 : i32
    %c0_i32_0 = arith.constant 0 : i32
    %c0_i32_1 = arith.constant 0 : i32
    return %c0_i32, %c0_i32_0 : i32, i32
  }
  func.func @transform_2(%arg0: i32, %arg1: i32) -> (i32, i32) {
    %c0_i32 = arith.constant 0 : i32
    %c0_i32_0 = arith.constant 0 : i32
    %c0_i32_1 = arith.constant 0 : i32
    return %c0_i32, %c0_i32_0 : i32, i32
  }
  func.func @transform_3(%arg0: i32, %arg1: i32) -> (i32, i32) {
    %c0_i32 = arith.constant 0 : i32
    %c0_i32_0 = arith.constant 0 : i32
    %c0_i32_1 = arith.constant 0 : i32
    return %c0_i32, %c0_i32_0 : i32, i32
  }
  func.func @transform_4(%arg0: i32, %arg1: i32) -> (i32, i32) {
    %c0_i32 = arith.constant 0 : i32
    %c0_i32_0 = arith.constant 0 : i32
    %c0_i32_1 = arith.constant 0 : i32
    return %c0_i32, %c0_i32_0 : i32, i32
  }
  func.func @transform_5(%arg0: i32, %arg1: i32) -> (i32, i32) {
    %c0_i32 = arith.constant 0 : i32
    %c0_i32_0 = arith.constant 0 : i32
    %c0_i32_1 = arith.constant 0 : i32
    return %c0_i32, %c0_i32_0 : i32, i32
  }
  func.func @transform_6(%arg0: i32, %arg1: i32) -> (i32, i32) {
    %c0_i32 = arith.constant 0 : i32
    %c0_i32_0 = arith.constant 0 : i32
    %c0_i32_1 = arith.constant 0 : i32
    return %c0_i32, %c0_i32_0 : i32, i32
  }
  func.func @transform_7(%arg0: i32, %arg1: i32) -> (i32, i32, i32) {
    %c0_i32 = arith.constant 0 : i32
    %c0_i32_0 = arith.constant 0 : i32
    return %arg0, %c0_i32, %arg1 : i32, i32, i32
  }
  func.func @transform_8(%arg0: i32, %arg1: i32) -> (i32, i32) {
    %c0_i32 = arith.constant 0 : i32
    %c0_i32_0 = arith.constant 0 : i32
    %c0_i32_1 = arith.constant 0 : i32
    return %c0_i32, %c0_i32_0 : i32, i32
  }
  func.func @transform_9(%arg0: i32, %arg1: i32) -> (i32, i32) {
    %c0_i32 = arith.constant 0 : i32
    %c0_i32_0 = arith.constant 0 : i32
    %c0_i32_1 = arith.constant 0 : i32
    return %c0_i32, %c0_i32_0 : i32, i32
  }
}

module attributes {stable_mosaic.version = 14 : i64} {
  func.func @_stage3_kernel(%arg0: i32, %arg1: i32, %arg2: memref<1x128x2048xf32, #tpu.memory_space<vmem>>, %arg3: memref<128x1xf32, #tpu.memory_space<vmem>>, %arg4: memref<128x1xf32, #tpu.memory_space<vmem>>, %arg5: memref<128x1xf32, #tpu.memory_space<vmem>>, %arg6: memref<128x1xf32, #tpu.memory_space<vmem>>, %arg7: memref<1x128x2048xf32, #tpu.memory_space<vmem>>) attributes {dimension_semantics = [#tpu.dimension_semantics<arbitrary>, #tpu.dimension_semantics<arbitrary>], iteration_bounds = array<i64: 4, 2>, scalar_prefetch = 0 : i64, scratch_operands = 0 : i64, tpu.core_type = #tpu.core_type<tc>, window_params = [{transform_indices = @transform_0, window_bounds = array<i64: 1, 128, 2048>}, {pipeline_mode = #tpu.pipeline_mode<synchronous>, transform_indices = @transform_1, window_bounds = array<i64: 128, 1>}, {pipeline_mode = #tpu.pipeline_mode<synchronous>, transform_indices = @transform_2, window_bounds = array<i64: 128, 1>}, {pipeline_mode = #tpu.pipeline_mode<synchronous>, transform_indices = @transform_3, window_bounds = array<i64: 128, 1>}, {pipeline_mode = #tpu.pipeline_mode<synchronous>, transform_indices = @transform_4, window_bounds = array<i64: 128, 1>}, {transform_indices = @transform_5, window_bounds = array<i64: 1, 128, 2048>}]} {
    %get3A = arith.constant 0 : index
    %get3A_0 = arith.constant 0 : index
    %get3A_1 = vector.load %arg5[%get3A, %get3A_0] : memref<128x1xf32, #tpu.memory_space<vmem>>, vector<128x1xf32>
    %mul3A = arith.constant 6.10351563E-5 : f32
    %mul3A_2 = vector.broadcast %mul3A : f32 to vector<128x1xf32>
    %mul3A_3 = arith.mulf %get3A_1, %mul3A_2 : vector<128x1xf32>
    %get3A_4 = arith.constant 0 : index
    %get3A_5 = arith.constant 0 : index
    %get3A_6 = vector.load %arg6[%get3A_4, %get3A_5] : memref<128x1xf32, #tpu.memory_space<vmem>>, vector<128x1xf32>
    %mul3A_7 = arith.constant 6.10351563E-5 : f32
    %mul3A_8 = vector.broadcast %mul3A_7 : f32 to vector<128x1xf32>
    %mul3A_9 = arith.mulf %get3A_6, %mul3A_8 : vector<128x1xf32>
    %mul3A_10 = arith.mulf %mul3A_3, %mul3A_3 : vector<128x1xf32>
    %sub3A = arith.subf %mul3A_9, %mul3A_10 : vector<128x1xf32>
    %get3A_11 = arith.constant 0 : index
    %get3A_12 = arith.constant 0 : index
    %get3A_13 = vector.load %arg3[%get3A_11, %get3A_12] : memref<128x1xf32, #tpu.memory_space<vmem>>, vector<128x1xf32>
    %add3A = arith.constant 9.99999974E-6 : f32
    %add3A_14 = vector.broadcast %add3A : f32 to vector<128x1xf32>
    %add3A_15 = arith.addf %sub3A, %add3A_14 : vector<128x1xf32>
    %rsqrt3A = math.rsqrt %add3A_15 : vector<128x1xf32>
    %mul3A_16 = arith.constant 5.000000e-01 : f32
    %mul3A_17 = vector.broadcast %mul3A_16 : f32 to vector<128x1xf32>
    %mul3A_18 = arith.mulf %mul3A_17, %add3A_15 : vector<128x1xf32>
    %mul3A_19 = arith.mulf %mul3A_18, %rsqrt3A : vector<128x1xf32>
    %mul3A_20 = arith.mulf %mul3A_19, %rsqrt3A : vector<128x1xf32>
    %sub3A_21 = arith.constant 1.500000e+00 : f32
    %sub3A_22 = vector.broadcast %sub3A_21 : f32 to vector<128x1xf32>
    %sub3A_23 = arith.subf %sub3A_22, %mul3A_20 : vector<128x1xf32>
    %mul3A_24 = arith.mulf %rsqrt3A, %sub3A_23 : vector<128x1xf32>
    %mul3A_25 = arith.constant 5.000000e-01 : f32
    %mul3A_26 = vector.broadcast %mul3A_25 : f32 to vector<128x1xf32>
    %mul3A_27 = arith.mulf %mul3A_26, %add3A_15 : vector<128x1xf32>
    %mul3A_28 = arith.mulf %mul3A_27, %mul3A_24 : vector<128x1xf32>
    %mul3A_29 = arith.mulf %mul3A_28, %mul3A_24 : vector<128x1xf32>
    %sub3A_30 = arith.constant 1.500000e+00 : f32
    %sub3A_31 = vector.broadcast %sub3A_30 : f32 to vector<128x1xf32>
    %sub3A_32 = arith.subf %sub3A_31, %mul3A_29 : vector<128x1xf32>
    %mul3A_33 = arith.mulf %mul3A_24, %sub3A_32 : vector<128x1xf32>
    %mul3A_34 = arith.mulf %get3A_13, %mul3A_33 : vector<128x1xf32>
    %get3A_35 = arith.constant 0 : index
    %get3A_36 = arith.constant 0 : index
    %get3A_37 = arith.constant 0 : index
    %get3A_38 = vector.load %arg2[%get3A_35, %get3A_36, %get3A_37] : memref<1x128x2048xf32, #tpu.memory_space<vmem>>, vector<1x128x2048xf32>
    %get3A_39 = vector.shape_cast %get3A_38 : vector<1x128x2048xf32> to vector<128x2048xf32>
    %sub3A_40 = vector.broadcast %mul3A_3 : vector<128x1xf32> to vector<128x2048xf32>
    %sub3A_41 = arith.subf %get3A_39, %sub3A_40 : vector<128x2048xf32>
    %mul3A_42 = vector.broadcast %mul3A_34 : vector<128x1xf32> to vector<128x2048xf32>
    %mul3A_43 = arith.mulf %sub3A_41, %mul3A_42 : vector<128x2048xf32>
    %get3A_44 = arith.constant 0 : index
    %get3A_45 = arith.constant 0 : index
    %get3A_46 = vector.load %arg4[%get3A_44, %get3A_45] : memref<128x1xf32, #tpu.memory_space<vmem>>, vector<128x1xf32>
    %add3A_47 = vector.broadcast %get3A_46 : vector<128x1xf32> to vector<128x2048xf32>
    %add3A_48 = arith.addf %mul3A_43, %add3A_47 : vector<128x2048xf32>
    %max3A = arith.constant 0.000000e+00 : f32
    %max3A_49 = vector.broadcast %max3A : f32 to vector<128x2048xf32>
    %max3A_50 = arith.maximumf %add3A_48, %max3A_49 : vector<128x2048xf32>
    %swap3A = arith.constant 0 : index
    %swap3A_51 = arith.constant 0 : index
    %swap3A_52 = arith.constant 0 : index
    %swap3A_53 = vector.load %arg7[%swap3A, %swap3A_51, %swap3A_52] : memref<1x128x2048xf32, #tpu.memory_space<vmem>>, vector<1x128x2048xf32>
    %swap3A_54 = vector.shape_cast %swap3A_53 : vector<1x128x2048xf32> to vector<128x2048xf32>
    %swap3A_55 = vector.shape_cast %max3A_50 : vector<128x2048xf32> to vector<1x128x2048xf32>
    tpu.vector_store %arg7[%swap3A, %swap3A_51, %swap3A_52], %swap3A_55 {strides = array<i32>} : memref<1x128x2048xf32, #tpu.memory_space<vmem>>, vector<1x128x2048xf32>,
    return
  }
  func.func @transform_0(%arg0: i32, %arg1: i32) -> (i32, i32, i32) {
    %c0_i32 = arith.constant 0 : i32
    %c0_i32_0 = arith.constant 0 : i32
    return %arg0, %c0_i32, %arg1 : i32, i32, i32
  }
  func.func @transform_1(%arg0: i32, %arg1: i32) -> (i32, i32) {
    %c0_i32 = arith.constant 0 : i32
    %c0_i32_0 = arith.constant 0 : i32
    %c0_i32_1 = arith.constant 0 : i32
    return %c0_i32, %c0_i32_0 : i32, i32
  }
  func.func @transform_2(%arg0: i32, %arg1: i32) -> (i32, i32) {
    %c0_i32 = arith.constant 0 : i32
    %c0_i32_0 = arith.constant 0 : i32
    %c0_i32_1 = arith.constant 0 : i32
    return %c0_i32, %c0_i32_0 : i32, i32
  }
  func.func @transform_3(%arg0: i32, %arg1: i32) -> (i32, i32) {
    %c0_i32 = arith.constant 0 : i32
    %c0_i32_0 = arith.constant 0 : i32
    %c0_i32_1 = arith.constant 0 : i32
    return %c0_i32, %c0_i32_0 : i32, i32
  }
  func.func @transform_4(%arg0: i32, %arg1: i32) -> (i32, i32) {
    %c0_i32 = arith.constant 0 : i32
    %c0_i32_0 = arith.constant 0 : i32
    %c0_i32_1 = arith.constant 0 : i32
    return %c0_i32, %c0_i32_0 : i32, i32
  }
  func.func @transform_5(%arg0: i32, %arg1: i32) -> (i32, i32, i32) {
    %c0_i32 = arith.constant 0 : i32
    %c0_i32_0 = arith.constant 0 : i32
    return %arg0, %c0_i32, %arg1 : i32, i32, i32
  }
}

</mosaic_0001>

<sc_bundles>
// kernel: kernel.7.cloned.1.call-start
scs
__scs_entry_jumppad:
0x0: {  	(pc) =	sbr.rel $0x88, $3  }
0x1: {  	(tag) =	ssettag $0x0;
	lr =	simm.s32 $0x1  }
0x2: {  	[smem:$0x3F95] =	sst lr;
	_ =	strace $0xD0000000  }
0x3: {  	_ = 	snop  }
0x4: {  	_ = 	snop  }
0x5: {  	_ = 	snop  }
0x6: {  	_ = 	snop  }
0x7: {  	_ = 	snop  }
__scs_overlays_trampoline_lowered:
0x8: {  	[smem:$0x3FA4] =	sst s0  }
0x9: {  	[smem:$0x3FA5] =	sst s1  }
0xa: {  	[smem:$0x3FA6] =	sst s2  }
0xb: {  	[smem:$0x3FA7] =	sst s3  }
0xc: {  	[smem:$0x3FA8] =	sst s4  }
0xd: {  	[smem:$0x3FA9] =	sst s5  }
0xe: {  	[smem:$0x3FAA] =	sst s6  }
0xf: {  	[smem:$0x3FAB] =	sst s7  }
0x10: {  	[smem:$0x3FAC] =	sst s8  }
0x11: {  	[smem:$0x3FAD] =	sst s9;
	s0 =	simm.s32 @!p0 $0x0  }
0x12: {  	s1 =	sld [smem:$0x3F93];
	s0 =	simm.s32 @p0 $0x1  }
0x13: {  	[smem:$0x3FAE] =	sst s0;
	s0 =	simm.s32 @!p1 $0x0  }
0x14: {  	s2 =	sld [smem:$0x3F92];
	s0 =	simm.s32 @p1 $0x1  }
0x15: {  	[smem:$0x3FAF] =	sst s0;
	s0 =	simm.s32 @!p2 $0x0  }
0x16: {  	s3 =	sld [smem:$0x3FDB];
	s0 =	simm.s32 @p2 $0x1  }
0x17: {  	s4 =	simm.s32 $0x1BF5;
	[smem:$0x3FB1] =	sst s0  }
0x18: {  	s0 =	sld [smem:$0x3F94];
	_ =	swait.ge [sflag:s4], $0x0  }
0x19: {  	s7 =	sld [smem:$0x3F95]  }
0x1a: {  	s8 =	sadd.s32 $0xFFFFE003, lr  }
0x1b: {  	s9 =	sadd.s32 $0xFFFFFEF7, lr;
	s5 =	simm.s32 $0xFFFFFFFF;
	p2 =	slt.u32 s8, $0xFFFFF086  }
0x1c: {  	p1 =	slt.u32 s9, $0xF7A;
	s5 =	simm.s32 @!p2 $0x0  }
0x1d: {  	s5 =	simm.s32 @p1 $0x1;
	p0 =	seq.s32 s7, s2  }
0x1e: {  	s7 =	smul.u32 @!p0 $0xF7A, s2;
	p2 =	seq.s32 @!p0 s5, $0x0  }
0x1f: {  	s9 =	smul.u32 $0xF7A, s1;
	s8 =	simm.s32 @!p0 $0x1BF5;
	p2 =	por !p2, p0  }
0x20: {  	[sflag:s8] =	ssyncset.s32 @!p0 $0xFFFFF086;
	s6 =	sadd.s32 @!p0 s3, s7;
	s7 =	simm.s32 @!p0 $0x108  }
0x21: {  	s3 =	sadd.s32 s3, s9;
	s6 =	sadd.s32 @!p0 $0x88, s6;
	s7 =	simm.s32 @p2 $0x1082  }
0x22: {  	[simem:s7], [sflag:s8] =	dma.local @!p0 [hbm:s6], $0xF7A  }
0x23: {  	s9 =	sor.u32 $0xD0000000, s2;
	s6 =	simm.s32 $0x108;
	_ =	swait.ge @!p0 [sflag:s8], $0x0  }
0x24: {  	s3 =	sadd.s32 $0x88, s3;
	s6 =	simm.s32 @!p1 $0x1082;
	[sflag:s4] =	ssyncset.s32 $0xFFFFF086  }
0x25: {  	[simem:s6], [sflag:s4] =	dma.local [hbm:s3], $0xF7A  }
0x26: {  	[smem:$0x3F95] =	sst s1;
	(tag) =	ssettag s2;
	_ =	strace s9  }
0x27: {  	s1 =	sld [smem:$0x3FA5]  }
0x28: {  	s2 =	sld [smem:$0x3FA6]  }
0x29: {  	s4 =	sld [smem:$0x3FA8]  }
0x2a: {  	p0 =	seq.s32 s5, $0x0;
	s5 =	sld [smem:$0x3FA9]  }
0x2b: {  	s6 =	sld [smem:$0x3FAA]  }
0x2c: {  	s7 =	sld [smem:$0x3FAB]  }
0x2d: {  	s3 =	simm.s32 $0x108;
	s8 =	sld [smem:$0x3FAC]  }
0x2e: {  	s3 =	simm.s32 @!p0 $0x1082;
	s9 =	sld [smem:$0x3FAD]  }
0x2f: {  	lr =	sadd.s32 s0, s3;
	s0 =	sld [smem:$0x3FA4]  }
0x30: {  	s3 =	sld [smem:$0x3FA7]  }
0x31: {  	[smem:$0x3FB0] =	sst s10  }
0x32: {  	s10 =	sld [smem:$0x3FAE];
	_ =	sdelay $0x3  }
0x33: {  	p0 =	seq.s32 s10, $0x1;
	s10 =	sld [smem:$0x3FB0];
	_ =	sdelay $0x3  }
0x34: {  	[smem:$0x3FB0] =	sst s10  }
0x35: {  	s10 =	sld [smem:$0x3FAF];
	_ =	sdelay $0x3  }
0x36: {  	p1 =	seq.s32 s10, $0x1;
	s10 =	sld [smem:$0x3FB0];
	_ =	sdelay $0x3  }
0x37: {  	[smem:$0x3FB0] =	sst s10  }
0x38: {  	s10 =	sld [smem:$0x3FB1]  }
0x39: {  	_ = 	snop;
	(pc) =	sbr.ind lr, $3  }
0x3a: {  	_ = 	snop  }
0x3b: {  	_ = 	snop  }
0x3c: {  	p2 =	seq.s32 s10, $0x1;
	s10 =	sld [smem:$0x3FB0]  }
0x3d: {  	_ =	shalt  }
0x3e: {  	_ =	shalt  }
0x3f: {  	_ =	shalt  }
0x40: {  	_ =	shalt  }
0x41: {  	_ =	shalt  }
0x42: {  	_ =	shalt  }
0x43: {  	_ =	shalt  }
0x44: {  	_ =	shalt  }
0x45: {  	_ =	shalt  }
0x46: {  	_ =	shalt  }
0x47: {  	_ =	shalt  }
0x48: {  	_ =	shalt  }
0x49: {  	_ =	shalt  }
0x4a: {  	_ =	shalt  }
0x4b: {  	_ =	shalt  }
0x4c: {  	_ =	shalt  }
0x4d: {  	_ =	shalt  }
0x4e: {  	_ =	shalt  }
0x4f: {  	_ =	shalt  }
0x50: {  	_ =	shalt  }
0x51: {  	_ =	shalt  }
0x52: {  	_ =	shalt  }
0x53: {  	_ =	shalt  }
0x54: {  	_ =	shalt  }
0x55: {  	_ =	shalt  }
0x56: {  	_ =	shalt  }
0x57: {  	_ =	shalt  }
0x58: {  	_ =	shalt  }
0x59: {  	_ =	shalt  }
0x5a: {  	_ =	shalt  }
0x5b: {  	_ =	shalt  }
0x5c: {  	_ =	shalt  }
0x5d: {  	_ =	shalt  }
0x5e: {  	_ =	shalt  }
0x5f: {  	_ =	shalt  }
0x60: {  	_ =	shalt  }
0x61: {  	_ =	shalt  }
0x62: {  	_ =	shalt  }
0x63: {  	_ =	shalt  }
0x64: {  	_ =	shalt  }
0x65: {  	_ =	shalt  }
0x66: {  	_ =	shalt  }
0x67: {  	_ =	shalt  }
0x68: {  	_ =	shalt  }
0x69: {  	_ =	shalt  }
0x6a: {  	_ =	shalt  }
0x6b: {  	_ =	shalt  }
0x6c: {  	_ =	shalt  }
0x6d: {  	_ =	shalt  }
0x6e: {  	_ =	shalt  }
0x6f: {  	_ =	shalt  }
0x70: {  	_ =	shalt  }
0x71: {  	_ =	shalt  }
0x72: {  	_ =	shalt  }
0x73: {  	_ =	shalt  }
0x74: {  	_ =	shalt  }
0x75: {  	_ =	shalt  }
0x76: {  	_ =	shalt  }
0x77: {  	_ =	shalt  }
0x78: {  	_ =	shalt  }
0x79: {  	_ =	shalt  }
0x7a: {  	_ =	shalt  }
0x7b: {  	_ =	shalt  }
0x7c: {  	_ =	shalt  }
0x7d: {  	_ =	shalt  }
0x7e: {  	_ =	shalt  }
0x7f: {  	_ =	shalt  }
0x80: {  	_ =	shalt  }
0x81: {  	_ =	shalt  }
0x82: {  	_ =	shalt  }
0x83: {  	_ =	shalt  }
0x84: {  	_ =	shalt  }
0x85: {  	_ =	shalt  }
0x86: {  	_ =	shalt  }
0x87: {  	_ =	shalt  }
.Lfunc_end0:
.L_simem_size_0:
called_computation_lowered:
.L_overlay_start_0:
0x88: {  	s2 =	sld [smem:$0x3FD9]  }
0x89: {  	s3 =	sld [smem:$0x3FFE];
	_ =	sdelay $0x1  }
0x8a: {  	s1 =	srdreg.scid  }
0x8b: {  	s0 =	sand.u32 $0x1, s1  }
0x8c: {  	s17 =	sshll.u32 s0, $0xA;
	s2 =	sadd.s32 s3, s2  }
0x8d: {  	s2 =	sadd.s32 s2, s17  }
0x8e: {  	[smem:$0x3FBC] =	sst s2  }
0x8f: {  	_ = 	snop  }
0x90: {  	s2 =	sld [smem:$0x3FD0];
	(tm) =	ssettm $0x1  }
0x91: {  	s18 =	sld [smem:$0x3FFB];
	_ =	sdelay $0x3  }
0x92: {  	_ =	strace s18  }
0x93: {  	s3 =	sld [smem:$0x3FFC];
	_ =	sdelay $0x3  }
0x94: {  	_ =	strace s3  }
0x95: {  	s3 =	sld [smem:$0x3FFD];
	_ =	sdelay $0x3  }
0x96: {  	_ =	strace s3  }
0x97: {  	_ =	strace $0x8FFFFFFF  }
0x98: {  	s19 =	sld [smem:$0x3FDB];
	_ =	sdelay $0x1  }
0x99: {  	s4 =	simm.s32 $_scs_section_size  }
0x9a: {  	s5 =	simm.s32 $_size__tile_overlayer_lowered;
	s6 =	simm.s32 $_tile_overlayer_lowered  }
0x9b: {  	s22 =	simm.s32 $0x1BFF;
	s21 =	sshll.u32 s6, $0x1;
	s3 =	sadd.s32 s4, s19  }
0x9c: {  	s7 =	simm.s32 $0x0;
	s20 =	sshll.u32 s5, $0x1;
	s5 =	sadd.s32 s21, s3  }
0x9d: {  	[timem:s7], [sflag:s22] =	dma.local [hbm:s5], s20  }
0x9e: {  	_ =	swait.ge [sflag:s22], s20  }
0x9f: {  	s4 =	ssub.s32 $0x0, s20;
	[sflag:s22] =	ssyncset.done $0x0  }
0xa0: {  	[sflag:s22] =	ssyncadd.s32 s4;
	_ =	sdelay $0x1  }
0xa1: {  	s23 =	simm.s32 $0x1B8B  }
0xa2: {  	_ =	swait.ge [sflag:s23], $0x1  }
0xa3: {  	[sflag:s23] =	ssyncset.done $0x0  }
0xa4: {  	s25 =	simm.s32 $0x1B8E;
	s24 =	sld [smem:$0x3FFE];
	[sflag:s23] =	ssyncadd.s32 $0xFFFFFFFF  }
0xa5: {  	s26 =	simm.s32 $execute0_lowered;
	[smem:$0x3FD2] =	sst s25  }
0xa6: {  	s5 =	sshll.u32 s26, $0x1;
	_ =	strace $0x80000046;
	[dreg:$0x1] =	wrdreg $0xFFFFFFFF  }
0xa7: {  	s28 =	simm.s32 $_size_execute0_lowered;
	s3 =	sadd.s32 s3, s5;
	[dreg:$0x0] =	wrdreg $0x0  }
0xa8: {  	s5 =	sshll.u32 s28, $0x1;
	[dreg:$0x2] =	wrdreg s3  }
0xa9: {  	[dreg:$0x3] =	wrdreg s5  }
0xaa: {  	[dreg:$0x4] =	wrdreg $0xC0  }
0xab: {  	_ =	task [dreg:s7], $0x5FFFF  }
0xac: {  	[dreg:$0x1] =	wrdreg $0xFFFFFFFF  }
0xad: {  	[dreg:$0x0] =	wrdreg $0x60  }
0xae: {  	[dreg:$0x2] =	wrdreg s2  }
0xaf: {  	[dreg:$0x3] =	wrdreg s24  }
0xb0: {  	[dreg:$0x4] =	wrdreg $0x9  }
0xb1: {  	_ =	task.clear_ibuf [dreg:s7], $0x5FFFF;
	_ =	strace $0x90000046  }
0xb2: {  	s29 =	simm.s32 $0x9;
	_ =	strace $0x80000048  }
0xb3: {  	_ =	swait.ge [sflag:s29], $0x1  }
0xb4: {  	[sflag:s29] =	ssyncadd.s32 $0xFFFFFFFF  }
0xb5: {  	_ =	strace $0x90000048  }
0xb6: {  	_ =	sfence  }
0xb7: {  	s30 =	sld [smem:$0x0];
	_ =	sdelay $0x2  }
0xb8: {  	s31 =	sshll.u32 s1, $0xD;
	s1 =	sshrl.u32 s1, $0x2  }
0xb9: {  	s3 =	sand.u32 $0x4000, s31;
	s1 =	sadd.s32 s1, s30  }
0xba: {  	s0 =	sor.u32 s3, s0;
	s1 =	sshll.u32 s1, $0x11  }
0xbb: {  	s0 =	sor.u32 s1, s0  }
0xbc: {  	s0 =	sadd.s32 $0x8F2B, s0  }
0xbd: {  	[sflag:s0] =	ssyncadd.remote.s32 $0x1  }
0xbe: {  	_ =	sfence.sel $0xFFFF  }
0xbf: {  	[dreg:$0x0] =	wrdreg $0xFFFFFFFF;
	(pc) =	sbr.abs _section_cstart, $3  }
0xc0: {  	[dreg:$0x1] =	wrdreg $0xFFFFFFFF  }
0xc1: {  	_ =	task.clear_ibuf [dreg:s7], $0x2FFFF;
	_ =	strace $0x9FFFFFFF  }
0xc2: {  	(tm) =	ssettm $0x7FFFFFFF  }
0xc3: {  	_ =	shalt  }
tec
execute0_lowered:
.L_overlay_start_1:
0x0: {  	(tag) =	ssettag $0x1  }
0x1: {  	s1 =	rddreg [dreg:$0x0]  }
0x2: {  	s0 =	rddreg [dreg:$0x1]  }
0x3: {  	s2 =	simm.s32 $0x0;
	s25 =	srdreg.scid;
	s6 =	stileid.u32  }
0x4: {  	s11 =	simm.s32 $0x2;
	s22 =	simm.s32 $0x1;
	s28 =	simm.s32 $0x6280  }
0x5: {  	s29 =	simm.s32 $0x6A80;
	s30 =	simm.s32 $0x7280;
	s31 =	simm.s32 $0x7A80  }
0x6: {  	s10 =	simm.s32 $0x9280;
	s12 =	simm.s32 $0xA280;
	s13 =	simm.s32 $0xAA80  }
0x7: {  	s14 =	simm.s32 $0xB280;
	s15 =	simm.s32 $0xBA80;
	s16 =	simm.s32 $0xC280  }
0x8: {  	s18 =	simm.s32 $0x0;
	[smem:$0x7FF] =	sst s2;
	s4 =	sadd.s32 $0x2400, s0  }
0x9: {  	s2 =	sand.u32 $0x1, s25;
	s5 =	sadd.s32 $0x3C00, s0;
	s8 =	sshll.u32 s6, $0xA  }
0xa: {  	s6 =	sadd.s32 $0x5400, s0;
	s9 =	sadd.s32 $0x3400, s0;
	s3 =	ssub.s32 $0x2, s2  }
0xb: {  	_ =	strace $0x80000047;
	s2 =	sshll.u32 s2, $0x9;
	s7 =	sshrl.u32 s3, $0x1  }
0xc: {  	v2 =	vlaneseq.u32;
	s3 =	ssub.s32 s3, s7;
	s7 =	sor.u32 s2, s8;
	s8 =	sadd.s32 $0x2C00, s0  }
0xd: {  	vm0 =	vmmov $0xffff;
	v1 =	vshrl.u32 v2, $0x3;
	s0 =	simm.s32 $0x8280;
	s2 =	simm.s32 $0x9A80;
	s26 =	smax.u32 s3, $0x1  }
0xe: {  	v0 =	vand.u32 $0x7, v2;
	v2 =	vor.u32 $0x8, v2;
	v1 =	vmul.u32 $0x8, v1;
	s3 =	simm.s32 $0x8A80;
	[dreg:$0x3] =	wrdreg s26;
	s26 =	simm.s32 $0x5A80  }
.LBB2_1:
0xf: {  	[dreg:$0x4] =	wrdreg s18;
	s17 =	simm.s32 $0x0  }
.LBB2_2:
0x10: {  	s18 =	sshll.u32 s17, $0x6  }
0x11: {  	s18 =	sadd.s32 s7, s18  }
0x12: {  	s20 =	sshrl.u32 s18, $0x3  }
0x13: {  	s19 =	simm.s32 $0x0;
	s21 =	sadd.s32 s4, s20  }
0x14: {  	[tilespmem:s19], [sflag:$0x2] =	stream.linear.gather [hbm4b:s21+s19], $0x40, $0x38;
	[tilespmem:$0x10280] =	vst v63  }
0x15: {  	_ =	swait.ge [sflag:s11], $0x40  }
0x16: {  	[sflag:s11] =	ssyncset.done $0x0  }
0x17: {  	s23 =	simm.s32 $0x80;
	s24 =	sadd.s32 s20, s8;
	[sflag:s11] =	ssyncadd.s32 $0xFFFFFFC0  }
0x18: {  	[tilespmem:s23], [sflag:$0x2] =	stream.linear.gather [hbm4b:s24+s19], $0x40, $0x38;
	[tilespmem:$0x10280] =	vst v63  }
0x19: {  	_ =	swait.ge [sflag:s11], $0x40  }
0x1a: {  	s25 =	simm.s32 $0x100;
	[sflag:s11] =	ssyncset.done $0x0  }
0x1b: {  	s20 =	sadd.s32 s20, s9;
	s23 =	smul.u32 $0x3, s18;
	[sflag:s11] =	ssyncadd.s32 $0xFFFFFFC0  }
0x1c: {  	[tilespmem:s25], [sflag:$0x2] =	stream.linear.gather [hbm4b:s20+s19], $0x40, $0x38;
	[tilespmem:$0x10280] =	vst v63  }
0x1d: {  	_ =	swait.ge [sflag:s11], $0x40  }
0x1e: {  	s20 =	sshrl.u32 s23, $0x3;
	[sflag:s11] =	ssyncset.done $0x0  }
0x1f: {  	s24 =	sadd.s32 s5, s20;
	s20 =	simm.s32 $0x180;
	[sflag:s11] =	ssyncadd.s32 $0xFFFFFFC0  }
0x20: {  	[tilespmem:s20], [sflag:$0x2] =	stream.linear.gather [hbm4b:s24+s19], $0xC0, $0x38;
	[tilespmem:$0x10280] =	vst v63  }
0x21: {  	_ =	swait.ge [sflag:s11], $0xC0  }
0x22: {  	[sflag:s11] =	ssyncset.done $0x0  }
0x23: {  	[sflag:s11] =	ssyncadd.s32 $0xFFFFFF40  }
0x24: {  	v3 =	vld [tilespmem:$0x0];
	_ =	sdelay $0x4  }
0x25: {  	v4 =	vshll.u32 v3, $0x1  }
0x26: {  	v3 =	vand.u32 $0x7, v3;
	v4 =	vand.u32 $0xFFFFFFF0, v4  }
0x27: {  	v3 =	vor.u32 v3, v4  }
0x28: {  	v4 =	vperm.xlane v3, v0;
	_ =	sdelay $0x1  }
0x29: {  	v3 =	vperm.xlane v3, v2;
	v4 =	vadd.s32 v1, v4;
	_ =	sdelay $0x1  }
0x2a: {  	v3 =	vadd.s32 v1, v3;
	_ =	sdelay $0x1  }
0x2b: {  	s25 =	simm.s32 $0x280  }
0x2c: {  	[tilespmem:s25], [sflag:$0x1] =	stream.indirect_vreg.gather [hbm4b:s1+s19], $0x80, v4, vm0, $0xb8;
	[tilespmem:$0x10280] =	vst v63  }
0x2d: {  	s23 =	simm.s32 $0xA80  }
0x2e: {  	[tilespmem:s23], [sflag:$0x1] =	stream.indirect_vreg.gather [hbm4b:s1+s19], $0x80, v3, vm0, $0xb8;
	[tilespmem:$0x10280] =	vst v63  }
0x2f: {  	v3 =	vld [tilespmem:$0x10];
	_ =	sdelay $0x4  }
0x30: {  	v4 =	vshll.u32 v3, $0x1  }
0x31: {  	v3 =	vand.u32 $0x7, v3;
	v4 =	vand.u32 $0xFFFFFFF0, v4  }
0x32: {  	v3 =	vor.u32 v3, v4  }
0x33: {  	v4 =	vperm.xlane v3, v0;
	_ =	sdelay $0x1  }
0x34: {  	v3 =	vperm.xlane v3, v2;
	v4 =	vadd.s32 v1, v4;
	_ =	sdelay $0x1  }
0x35: {  	v3 =	vadd.s32 v1, v3;
	_ =	sdelay $0x1  }
0x36: {  	s24 =	simm.s32 $0x1280  }
0x37: {  	[tilespmem:s24], [sflag:$0x1] =	stream.indirect_vreg.gather [hbm4b:s1+s19], $0x80, v4, vm0, $0xb8;
	[tilespmem:$0x10280] =	vst v63  }
0x38: {  	s25 =	simm.s32 $0x1A80  }
0x39: {  	[tilespmem:s25], [sflag:$0x1] =	stream.indirect_vreg.gather [hbm4b:s1+s19], $0x80, v3, vm0, $0xb8;
	[tilespmem:$0x10280] =	vst v63  }
0x3a: {  	v3 =	vld [tilespmem:$0x20];
	_ =	sdelay $0x4  }
0x3b: {  	v4 =	vshll.u32 v3, $0x1  }
0x3c: {  	v3 =	vand.u32 $0x7, v3;
	v4 =	vand.u32 $0xFFFFFFF0, v4  }
0x3d: {  	v3 =	vor.u32 v3, v4  }
0x3e: {  	v4 =	vperm.xlane v3, v0;
	_ =	sdelay $0x1  }
0x3f: {  	v3 =	vperm.xlane v3, v2;
	v4 =	vadd.s32 v1, v4;
	_ =	sdelay $0x1  }
0x40: {  	v3 =	vadd.s32 v1, v3;
	_ =	sdelay $0x1  }
0x41: {  	s23 =	simm.s32 $0x2280  }
0x42: {  	[tilespmem:s23], [sflag:$0x1] =	stream.indirect_vreg.gather [hbm4b:s1+s19], $0x80, v4, vm0, $0xb8;
	[tilespmem:$0x10280] =	vst v63  }
0x43: {  	s24 =	simm.s32 $0x2A80  }
0x44: {  	[tilespmem:s24], [sflag:$0x1] =	stream.indirect_vreg.gather [hbm4b:s1+s19], $0x80, v3, vm0, $0xb8;
	[tilespmem:$0x10280] =	vst v63  }
0x45: {  	v3 =	vld [tilespmem:$0x30];
	_ =	sdelay $0x4  }
0x46: {  	v4 =	vshll.u32 v3, $0x1  }
0x47: {  	v3 =	vand.u32 $0x7, v3;
	v4 =	vand.u32 $0xFFFFFFF0, v4  }
0x48: {  	v3 =	vor.u32 v3, v4  }
0x49: {  	v4 =	vperm.xlane v3, v0;
	_ =	sdelay $0x1  }
0x4a: {  	v3 =	vperm.xlane v3, v2;
	v4 =	vadd.s32 v1, v4;
	_ =	sdelay $0x1  }
0x4b: {  	v3 =	vadd.s32 v1, v3;
	_ =	sdelay $0x1  }
0x4c: {  	s25 =	simm.s32 $0x3280  }
0x4d: {  	[tilespmem:s25], [sflag:$0x1] =	stream.indirect_vreg.gather [hbm4b:s1+s19], $0x80, v4, vm0, $0xb8;
	[tilespmem:$0x10280] =	vst v63  }
0x4e: {  	s23 =	simm.s32 $0x3A80  }
0x4f: {  	[tilespmem:s23], [sflag:$0x1] =	stream.indirect_vreg.gather [hbm4b:s1+s19], $0x80, v3, vm0, $0xb8;
	[tilespmem:$0x10280] =	vst v63  }
0x50: {  	_ =	swait.ge [sflag:s22], $0x4000  }
0x51: {  	[sflag:s22] =	ssyncset.done $0x0  }
0x52: {  	[sflag:s22] =	ssyncadd.s32 $0xFFFFC000  }
0x53: {  	v3 =	vld [tilespmem:$0x80];
	_ =	sdelay $0x4  }
0x54: {  	v4 =	vshll.u32 v3, $0x1  }
0x55: {  	v3 =	vand.u32 $0x7, v3;
	v4 =	vand.u32 $0xFFFFFFF0, v4  }
0x56: {  	v3 =	vor.u32 v3, v4  }
0x57: {  	v4 =	vperm.xlane v3, v0;
	_ =	sdelay $0x1  }
0x58: {  	v3 =	vperm.xlane v3, v2;
	v4 =	vadd.s32 v1, v4;
	_ =	sdelay $0x1  }
0x59: {  	v3 =	vadd.s32 v1, v3;
	_ =	sdelay $0x1  }
0x5a: {  	s24 =	simm.s32 $0x4280  }
0x5b: {  	[tilespmem:s24], [sflag:$0x1] =	stream.indirect_vreg.gather [hbm4b:s1+s19], $0x80, v4, vm0, $0xb8;
	[tilespmem:$0x10280] =	vst v63  }
0x5c: {  	s25 =	simm.s32 $0x4A80  }
0x5d: {  	[tilespmem:s25], [sflag:$0x1] =	stream.indirect_vreg.gather [hbm4b:s1+s19], $0x80, v3, vm0, $0xb8;
	[tilespmem:$0x10280] =	vst v63  }
0x5e: {  	v3 =	vld [tilespmem:$0x90];
	_ =	sdelay $0x4  }
0x5f: {  	v4 =	vshll.u32 v3, $0x1  }
0x60: {  	v3 =	vand.u32 $0x7, v3;
	v4 =	vand.u32 $0xFFFFFFF0, v4  }
0x61: {  	v3 =	vor.u32 v3, v4  }
0x62: {  	v4 =	vperm.xlane v3, v0;
	_ =	sdelay $0x1  }
0x63: {  	v3 =	vperm.xlane v3, v2;
	v4 =	vadd.s32 v1, v4;
	_ =	sdelay $0x1  }
0x64: {  	v3 =	vadd.s32 v1, v3;
	_ =	sdelay $0x1  }
0x65: {  	s23 =	simm.s32 $0x5280  }
0x66: {  	[tilespmem:s23], [sflag:$0x1] =	stream.indirect_vreg.gather [hbm4b:s1+s19], $0x80, v4, vm0, $0xb8;
	[tilespmem:$0x10280] =	vst v63  }
0x67: {  	_ = 	snop  }
0x68: {  	[tilespmem:s26], [sflag:$0x1] =	stream.indirect_vreg.gather [hbm4b:s1+s19], $0x80, v3, vm0, $0xb8;
	[tilespmem:$0x10280] =	vst v63  }
0x69: {  	v3 =	vld [tilespmem:$0xA0];
	_ =	sdelay $0x4  }
0x6a: {  	v4 =	vshll.u32 v3, $0x1  }
0x6b: {  	v3 =	vand.u32 $0x7, v3;
	v4 =	vand.u32 $0xFFFFFFF0, v4  }
0x6c: {  	v3 =	vor.u32 v3, v4  }
0x6d: {  	v4 =	vperm.xlane v3, v0;
	_ =	sdelay $0x1  }
0x6e: {  	v3 =	vperm.xlane v3, v2;
	v4 =	vadd.s32 v1, v4;
	_ =	sdelay $0x1  }
0x6f: {  	v3 =	vadd.s32 v1, v3;
	_ =	sdelay $0x2  }
0x70: {  	[tilespmem:s28], [sflag:$0x1] =	stream.indirect_vreg.gather [hbm4b:s1+s19], $0x80, v4, vm0, $0xb8;
	[tilespmem:$0x10280] =	vst v63  }
0x71: {  	_ = 	snop  }
0x72: {  	[tilespmem:s29], [sflag:$0x1] =	stream.indirect_vreg.gather [hbm4b:s1+s19], $0x80, v3, vm0, $0xb8;
	[tilespmem:$0x10280] =	vst v63  }
0x73: {  	v3 =	vld [tilespmem:$0xB0];
	_ =	sdelay $0x4  }
0x74: {  	v4 =	vshll.u32 v3, $0x1  }
0x75: {  	v3 =	vand.u32 $0x7, v3;
	v4 =	vand.u32 $0xFFFFFFF0, v4  }
0x76: {  	v3 =	vor.u32 v3, v4  }
0x77: {  	v4 =	vperm.xlane v3, v0;
	_ =	sdelay $0x1  }
0x78: {  	v3 =	vperm.xlane v3, v2;
	v4 =	vadd.s32 v1, v4;
	_ =	sdelay $0x1  }
0x79: {  	v3 =	vadd.s32 v1, v3;
	_ =	sdelay $0x2  }
0x7a: {  	[tilespmem:s30], [sflag:$0x1] =	stream.indirect_vreg.gather [hbm4b:s1+s19], $0x80, v4, vm0, $0xb8;
	[tilespmem:$0x10280] =	vst v63  }
0x7b: {  	_ = 	snop  }
0x7c: {  	[tilespmem:s31], [sflag:$0x1] =	stream.indirect_vreg.gather [hbm4b:s1+s19], $0x80, v3, vm0, $0xb8;
	[tilespmem:$0x10280] =	vst v63  }
0x7d: {  	_ =	swait.ge [sflag:s22], $0x4000  }
0x7e: {  	[sflag:s22] =	ssyncset.done $0x0  }
0x7f: {  	[sflag:s22] =	ssyncadd.s32 $0xFFFFC000  }
0x80: {  	v3 =	vld [tilespmem:$0x100];
	_ =	sdelay $0x4  }
0x81: {  	v4 =	vshll.u32 v3, $0x1  }
0x82: {  	v3 =	vand.u32 $0x7, v3;
	v4 =	vand.u32 $0xFFFFFFF0, v4  }
0x83: {  	v3 =	vor.u32 v3, v4  }
0x84: {  	v4 =	vperm.xlane v3, v0;
	_ =	sdelay $0x1  }
0x85: {  	v3 =	vperm.xlane v3, v2;
	v4 =	vadd.s32 v1, v4;
	_ =	sdelay $0x1  }
0x86: {  	v3 =	vadd.s32 v1, v3;
	_ =	sdelay $0x2  }
0x87: {  	[tilespmem:s0], [sflag:$0x1] =	stream.indirect_vreg.gather [hbm4b:s1+s19], $0x80, v4, vm0, $0xb8;
	[tilespmem:$0x10280] =	vst v63  }
0x88: {  	_ = 	snop  }
0x89: {  	[tilespmem:s3], [sflag:$0x1] =	stream.indirect_vreg.gather [hbm4b:s1+s19], $0x80, v3, vm0, $0xb8;
	[tilespmem:$0x10280] =	vst v63  }
0x8a: {  	v3 =	vld [tilespmem:$0x110];
	_ =	sdelay $0x4  }
0x8b: {  	v4 =	vshll.u32 v3, $0x1  }
0x8c: {  	v3 =	vand.u32 $0x7, v3;
	v4 =	vand.u32 $0xFFFFFFF0, v4  }
0x8d: {  	v3 =	vor.u32 v3, v4  }
0x8e: {  	v4 =	vperm.xlane v3, v0;
	_ =	sdelay $0x1  }
0x8f: {  	v3 =	vperm.xlane v3, v2;
	v4 =	vadd.s32 v1, v4;
	_ =	sdelay $0x1  }
0x90: {  	v3 =	vadd.s32 v1, v3;
	_ =	sdelay $0x2  }
0x91: {  	[tilespmem:s10], [sflag:$0x1] =	stream.indirect_vreg.gather [hbm4b:s1+s19], $0x80, v4, vm0, $0xb8;
	[tilespmem:$0x10280] =	vst v63  }
0x92: {  	_ = 	snop  }
0x93: {  	[tilespmem:s2], [sflag:$0x1] =	stream.indirect_vreg.gather [hbm4b:s1+s19], $0x80, v3, vm0, $0xb8;
	[tilespmem:$0x10280] =	vst v63  }
0x94: {  	v3 =	vld [tilespmem:$0x120];
	_ =	sdelay $0x4  }
0x95: {  	v4 =	vshll.u32 v3, $0x1  }
0x96: {  	v3 =	vand.u32 $0x7, v3;
	v4 =	vand.u32 $0xFFFFFFF0, v4  }
0x97: {  	v3 =	vor.u32 v3, v4  }
0x98: {  	v4 =	vperm.xlane v3, v0;
	_ =	sdelay $0x1  }
0x99: {  	v3 =	vperm.xlane v3, v2;
	v4 =	vadd.s32 v1, v4;
	_ =	sdelay $0x1  }
0x9a: {  	v3 =	vadd.s32 v1, v3;
	_ =	sdelay $0x2  }
0x9b: {  	[tilespmem:s12], [sflag:$0x1] =	stream.indirect_vreg.gather [hbm4b:s1+s19], $0x80, v4, vm0, $0xb8;
	[tilespmem:$0x10280] =	vst v63  }
0x9c: {  	_ = 	snop  }
0x9d: {  	[tilespmem:s13], [sflag:$0x1] =	stream.indirect_vreg.gather [hbm4b:s1+s19], $0x80, v3, vm0, $0xb8;
	[tilespmem:$0x10280] =	vst v63  }
0x9e: {  	v3 =	vld [tilespmem:$0x130];
	_ =	sdelay $0x4  }
0x9f: {  	v4 =	vshll.u32 v3, $0x1  }
0xa0: {  	v3 =	vand.u32 $0x7, v3;
	v4 =	vand.u32 $0xFFFFFFF0, v4  }
0xa1: {  	v3 =	vor.u32 v3, v4  }
0xa2: {  	v4 =	vperm.xlane v3, v0;
	_ =	sdelay $0x1  }
0xa3: {  	v3 =	vperm.xlane v3, v2;
	v4 =	vadd.s32 v1, v4;
	_ =	sdelay $0x1  }
0xa4: {  	v3 =	vadd.s32 v1, v3;
	_ =	sdelay $0x2  }
0xa5: {  	[tilespmem:s14], [sflag:$0x1] =	stream.indirect_vreg.gather [hbm4b:s1+s19], $0x80, v4, vm0, $0xb8;
	[tilespmem:$0x10280] =	vst v63  }
0xa6: {  	_ = 	snop  }
0xa7: {  	[tilespmem:s15], [sflag:$0x1] =	stream.indirect_vreg.gather [hbm4b:s1+s19], $0x80, v3, vm0, $0xb8;
	[tilespmem:$0x10280] =	vst v63  }
0xa8: {  	_ =	swait.ge [sflag:s22], $0x4000  }
0xa9: {  	s24 =	sand.u32 $0x3800, s19;
	s25 =	sand.u32 $0x380, s19;
	[sflag:s22] =	ssyncset.done $0x0  }
0xaa: {  	s21 =	sor.u32 s25, s24;
	[sflag:s22] =	ssyncadd.s32 $0xFFFFC000  }
0xab: {  	v19 =	vld [tilespmem:s21+$0x8280]  }
0xac: {  	v20 =	vld [tilespmem:s21+$0x8290]  }
0xad: {  	v18 =	vld [tilespmem:s21+$0x82A0]  }
0xae: {  	v17 =	vld [tilespmem:s21+$0x82B0]  }
0xaf: {  	v15 =	vld [tilespmem:s21+$0x82C0]  }
0xb0: {  	v12 =	vld [tilespmem:s21+$0x82D0]  }
0xb1: {  	v11 =	vld [tilespmem:s21+$0x82E0]  }
0xb2: {  	v10 =	vld [tilespmem:s21+$0x82F0]  }
0xb3: {  	v9 =	vld [tilespmem:s21+$0x8680]  }
0xb4: {  	v8 =	vld [tilespmem:s21+$0x8690]  }
0xb5: {  	v7 =	vld [tilespmem:s21+$0x86A0]  }
0xb6: {  	v6 =	vld [tilespmem:s21+$0x86B0]  }
0xb7: {  	v5 =	vld [tilespmem:s21+$0x86C0]  }
0xb8: {  	v4 =	vld [tilespmem:s21+$0x86D0]  }
0xb9: {  	v3 =	vld [tilespmem:s21+$0x86E0]  }
0xba: {  	v21 =	vld [tilespmem:s21+$0x280]  }
0xbb: {  	s23 =	simm.s32 $0x100;
	v14 =	vld [tilespmem:s20+$0x0]  }
.LBB2_3:
0xbc: {  	p0 =	sne.s32 s23, $0x3F00;
	v22 =	vld [tilespmem:s21+$0x4280]  }
0xbd: {  	v23 =	vld [tilespmem:s21+$0x290]  }
0xbe: {  	v24 =	vld [tilespmem:s21+$0x4290]  }
0xbf: {  	v25 =	vld [tilespmem:s21+$0x2A0]  }
0xc0: {  	v16 =	vbroadcast v14, $0x0;
	v13 =	vbroadcast v14, $0x1;
	v26 =	vld [tilespmem:s21+$0x42A0]  }
0xc1: {  	v14 =	vbroadcast v14, $0x2;
	v27 =	vld [tilespmem:s21+$0x2B0]  }
0xc2: {  	v21 =	vmul.f32 v21, v16;
	v22 =	vmul.f32 v22, v13;
	v28 =	vld [tilespmem:s21+$0x42B0]  }
0xc3: {  	v23 =	vmul.f32 v23, v16;
	v24 =	vmul.f32 v24, v13;
	v29 =	vld [tilespmem:s21+$0x2C0]  }
0xc4: {  	v19 =	vmul.f32 v19, v14;
	v20 =	vmul.f32 v20, v14;
	v21 =	vadd.f32 v22, v21;
	v22 =	vld [tilespmem:s21+$0x42C0]  }
0xc5: {  	v23 =	vadd.f32 v24, v23;
	v24 =	vmul.f32 v25, v16;
	v25 =	vmul.f32 v26, v13;
	v26 =	vld [tilespmem:s21+$0x2D0]  }
0xc6: {  	v18 =	vmul.f32 v18, v14;
	v19 =	vadd.f32 v19, v21;
	v21 =	vmul.f32 v27, v16;
	v27 =	vld [tilespmem:s21+$0x42D0]  }
0xc7: {  	v20 =	vadd.f32 v20, v23;
	v23 =	vadd.f32 v25, v24;
	v24 =	vmul.f32 v28, v13;
	v25 =	vld [tilespmem:s21+$0x2E0]  }
0xc8: {  	v17 =	vmul.f32 v17, v14;
	[tilespmem:s21+$0xC280] =	vst v19;
	v19 =	vmul.f32 v29, v16;
	v28 =	vld [tilespmem:s21+$0x42E0]  }
0xc9: {  	[tilespmem:s21+$0xC290] =	vst v20;
	v18 =	vadd.f32 v18, v23;
	v20 =	vadd.f32 v24, v21;
	v21 =	vmul.f32 v22, v13;
	v22 =	vld [tilespmem:s21+$0x2F0]  }
0xca: {  	v15 =	vmul.f32 v15, v14;
	v23 =	vmul.f32 v26, v16;
	v24 =	vld [tilespmem:s21+$0x42F0]  }
0xcb: {  	[tilespmem:s21+$0xC2A0] =	vst v18;
	v17 =	vadd.f32 v17, v20;
	v18 =	vadd.f32 v21, v19;
	v19 =	vmul.f32 v27, v13;
	v20 =	vld [tilespmem:s21+$0x680]  }
0xcc: {  	v12 =	vmul.f32 v12, v14;
	v21 =	vmul.f32 v25, v16;
	v25 =	vld [tilespmem:s21+$0x4680]  }
0xcd: {  	[tilespmem:s21+$0xC2B0] =	vst v17;
	v15 =	vadd.f32 v15, v18;
	v17 =	vadd.f32 v19, v23;
	v18 =	vmul.f32 v28, v13;
	v19 =	vld [tilespmem:s21+$0x690]  }
0xce: {  	v11 =	vmul.f32 v11, v14;
	v22 =	vmul.f32 v22, v16;
	v23 =	vld [tilespmem:s21+$0x4690]  }
0xcf: {  	[tilespmem:s21+$0xC2C0] =	vst v15;
	v12 =	vadd.f32 v12, v17;
	v15 =	vadd.f32 v18, v21;
	v17 =	vmul.f32 v24, v13;
	v18 =	vld [tilespmem:s21+$0x6A0]  }
0xd0: {  	v10 =	vmul.f32 v10, v14;
	v20 =	vmul.f32 v20, v16;
	v21 =	vld [tilespmem:s21+$0x46A0]  }
0xd1: {  	[tilespmem:s21+$0xC2D0] =	vst v12;
	v11 =	vadd.f32 v11, v15;
	v12 =	vadd.f32 v17, v22;
	v15 =	vmul.f32 v25, v13;
	v17 =	vld [tilespmem:s21+$0x6B0]  }
0xd2: {  	v9 =	vmul.f32 v9, v14;
	v19 =	vmul.f32 v19, v16;
	v22 =	vld [tilespmem:s21+$0x46B0]  }
0xd3: {  	[tilespmem:s21+$0xC2E0] =	vst v11;
	v10 =	vadd.f32 v10, v12;
	v11 =	vadd.f32 v15, v20;
	v12 =	vmul.f32 v23, v13;
	v15 =	vld [tilespmem:s21+$0x6C0]  }
0xd4: {  	v8 =	vmul.f32 v8, v14;
	v18 =	vmul.f32 v18, v16;
	v20 =	vld [tilespmem:s21+$0x46C0]  }
0xd5: {  	[tilespmem:s21+$0xC2F0] =	vst v10;
	v9 =	vadd.f32 v9, v11;
	v10 =	vadd.f32 v12, v19;
	v11 =	vmul.f32 v21, v13;
	v12 =	vld [tilespmem:s21+$0x6D0]  }
0xd6: {  	v7 =	vmul.f32 v7, v14;
	v17 =	vmul.f32 v17, v16;
	v19 =	vld [tilespmem:s21+$0x46D0]  }
0xd7: {  	[tilespmem:s21+$0xC680] =	vst v9;
	v8 =	vadd.f32 v8, v10;
	v9 =	vadd.f32 v11, v18;
	v10 =	vmul.f32 v22, v13;
	v11 =	vld [tilespmem:s21+$0x6E0]  }
0xd8: {  	v6 =	vmul.f32 v6, v14;
	v15 =	vmul.f32 v15, v16;
	v18 =	vld [tilespmem:s21+$0x46E0]  }
0xd9: {  	s19 =	sadd.s32 $0x80, s19;
	[tilespmem:s21+$0xC690] =	vst v8;
	v7 =	vadd.f32 v7, v9;
	v8 =	vadd.f32 v10, v17;
	v9 =	vmul.f32 v20, v13;
	v10 =	vld [tilespmem:s21+$0x6F0]  }
0xda: {  	s24 =	sand.u32 $0x3800, s23;
	s25 =	sand.u32 $0x380, s19;
	v5 =	vmul.f32 v5, v14;
	v12 =	vmul.f32 v12, v16;
	v21 =	vld [tilespmem:s21+$0x46F0]  }
0xdb: {  	s24 =	sor.u32 s25, s24;
	[tilespmem:s21+$0xC6A0] =	vst v7;
	v6 =	vadd.f32 v6, v8;
	v7 =	vadd.f32 v9, v15;
	v8 =	vmul.f32 v19, v13;
	v9 =	vld [tilespmem:s21+$0x86F0]  }
0xdc: {  	v4 =	vmul.f32 v4, v14;
	v19 =	vld [tilespmem:s24+$0x8280];
	v11 =	vmul.f32 v11, v16  }
0xdd: {  	v20 =	vld [tilespmem:s24+$0x8290];
	[tilespmem:s21+$0xC6B0] =	vst v6;
	v5 =	vadd.f32 v5, v7;
	v6 =	vadd.f32 v8, v12;
	v7 =	vmul.f32 v18, v13  }
0xde: {  	v3 =	vmul.f32 v3, v14;
	v18 =	vld [tilespmem:s24+$0x82A0];
	v8 =	vmul.f32 v10, v16  }
0xdf: {  	v17 =	vld [tilespmem:s24+$0x82B0];
	[tilespmem:s21+$0xC6C0] =	vst v5;
	v4 =	vadd.f32 v4, v6;
	v5 =	vadd.f32 v7, v11;
	v6 =	vmul.f32 v21, v13  }
0xe0: {  	v15 =	vld [tilespmem:s24+$0x82C0];
	v7 =	vmul.f32 v9, v14  }
0xe1: {  	v12 =	vld [tilespmem:s24+$0x82D0];
	[tilespmem:s21+$0xC6D0] =	vst v4;
	v3 =	vadd.f32 v3, v5;
	v4 =	vadd.f32 v6, v8  }
0xe2: {  	v11 =	vld [tilespmem:s24+$0x82E0]  }
0xe3: {  	v10 =	vld [tilespmem:s24+$0x82F0];
	[tilespmem:s21+$0xC6E0] =	vst v3;
	v3 =	vadd.f32 v7, v4  }
0xe4: {  	v9 =	vld [tilespmem:s24+$0x8680]  }
0xe5: {  	v8 =	vld [tilespmem:s24+$0x8690];
	[tilespmem:s21+$0xC6F0] =	vst v3;
	s21 =	smov.u32 s24  }
0xe6: {  	v7 =	vld [tilespmem:s21+$0x86A0]  }
0xe7: {  	v6 =	vld [tilespmem:s21+$0x86B0]  }
.Ltmp0:
0xe8: {  	v5 =	vld [tilespmem:s21+$0x86C0];
	(pc) =	sbr.rel @p0 .LBB2_3-.Ltmp0, $4  }
0xe9: {  	v4 =	vld [tilespmem:s21+$0x86D0]  }
0xea: {  	v3 =	vld [tilespmem:s21+$0x86E0]  }
0xeb: {  	s20 =	sadd.s32 $0x3, s20;
	v21 =	vld [tilespmem:s21+$0x280]  }
0xec: {  	s23 =	sadd.s32 $0x100, s23;
	v14 =	vld [tilespmem:s20+$0x0]  }
0xed: {  	v13 =	vld [tilespmem:s21+$0x4280]  }
0xee: {  	v16 =	vld [tilespmem:s21+$0x290]  }
0xef: {  	v22 =	vld [tilespmem:s21+$0x4290]  }
0xf0: {  	v23 =	vld [tilespmem:s21+$0x2A0]  }
0xf1: {  	v26 =	vld [tilespmem:s21+$0x42A0]  }
0xf2: {  	v27 =	vld [tilespmem:s21+$0x2B0]  }
0xf3: {  	v28 =	vld [tilespmem:s21+$0x42B0]  }
0xf4: {  	v29 =	vld [tilespmem:s21+$0x2C0];
	v24 =	vbroadcast v14, $0x0;
	v25 =	vbroadcast v14, $0x1  }
0xf5: {  	v49 =	vld [tilespmem:s21+$0x42C0];
	v14 =	vbroadcast v14, $0x2  }
0xf6: {  	v30 =	vld [tilespmem:s21+$0x2D0];
	v21 =	vmul.f32 v21, v24;
	v13 =	vmul.f32 v13, v25  }
0xf7: {  	v50 =	vld [tilespmem:s21+$0x42D0];
	v16 =	vmul.f32 v16, v24;
	v22 =	vmul.f32 v22, v25  }
0xf8: {  	v53 =	vld [tilespmem:s21+$0x2E0];
	v19 =	vmul.f32 v19, v14;
	v20 =	vmul.f32 v20, v14  }
0xf9: {  	v56 =	vld [tilespmem:s21+$0x42E0];
	v51 =	vmul.f32 v23, v24;
	v52 =	vmul.f32 v26, v25  }
0xfa: {  	v59 =	vld [tilespmem:s21+$0x2F0];
	v54 =	vmul.f32 v18, v14;
	v57 =	vmul.f32 v27, v24  }
0xfb: {  	v39 =	vld [tilespmem:s21+$0x46A0];
	v58 =	vmul.f32 v28, v25;
	v17 =	vmul.f32 v17, v14  }
0xfc: {  	v61 =	vld [tilespmem:s21+$0x42F0];
	v62 =	vmul.f32 v29, v24;
	v15 =	vmul.f32 v15, v14  }
0xfd: {  	v33 =	vld [tilespmem:s21+$0x690];
	v31 =	vmul.f32 v30, v24;
	v12 =	vmul.f32 v12, v14  }
0xfe: {  	v41 =	vld [tilespmem:s21+$0x46B0];
	v36 =	vmul.f32 v53, v24;
	v11 =	vmul.f32 v11, v14  }
0xff: {  	v46 =	vld [tilespmem:s21+$0x46D0];
	v10 =	vmul.f32 v10, v14;
	v9 =	vmul.f32 v9, v14  }
0x100: {  	v40 =	vld [tilespmem:s21+$0x6B0];
	v8 =	vmul.f32 v8, v14;
	v47 =	vmul.f32 v39, v25  }
0x101: {  	v27 =	vld [tilespmem:s21+$0x680];
	v7 =	vmul.f32 v7, v14;
	v6 =	vmul.f32 v6, v14  }
0x102: {  	v29 =	vld [tilespmem:s21+$0x4680];
	v5 =	vmul.f32 v5, v14;
	v13 =	vadd.f32 v13, v21;
	v16 =	vadd.f32 v22, v16  }
0x103: {  	v53 =	vld [tilespmem:s21+$0x46F0];
	v55 =	vadd.f32 v52, v51;
	v21 =	vmul.f32 v49, v25;
	v22 =	vmul.f32 v61, v25  }
0x104: {  	v35 =	vld [tilespmem:s21+$0x4690];
	v60 =	vadd.f32 v58, v57;
	v51 =	vmul.f32 v41, v25;
	v57 =	vmul.f32 v46, v25  }
0x105: {  	v44 =	vld [tilespmem:s21+$0x46C0];
	v13 =	vadd.f32 v19, v13;
	v16 =	vadd.f32 v20, v16;
	v19 =	vmul.f32 v50, v25  }
0x106: {  	v49 =	vld [tilespmem:s21+$0x46E0];
	v28 =	vadd.f32 v21, v62;
	v20 =	vmul.f32 v56, v25;
	v50 =	vmul.f32 v40, v24  }
0x107: {  	v52 =	vld [tilespmem:s21+$0x6F0];
	v63 =	vadd.f32 v17, v60;
	v17 =	vmul.f32 v27, v24;
	v21 =	vmul.f32 v29, v25  }
0x108: {  	v37 =	vld [tilespmem:s21+$0x6A0];
	v60 =	vmul.f32 v53, v25;
	[tilespmem:s21+$0xC280] =	vst v13;
	v13 =	vadd.f32 v54, v55;
	v32 =	vadd.f32 v15, v28  }
0x109: {  	v56 =	vld [tilespmem:s21+$0x86F0];
	[tilespmem:s21+$0xC290] =	vst v16;
	v34 =	vadd.f32 v19, v31;
	v16 =	vmul.f32 v59, v24;
	v15 =	vmul.f32 v33, v24  }
0x10a: {  	v42 =	vld [tilespmem:s21+$0x6C0];
	[tilespmem:s21+$0xC2B0] =	vst v63;
	v38 =	vadd.f32 v20, v36;
	v19 =	vmul.f32 v35, v25;
	v54 =	vmul.f32 v44, v25  }
0x10b: {  	v48 =	vld [tilespmem:s21+$0x6E0];
	v43 =	vadd.f32 v21, v17;
	v58 =	vmul.f32 v49, v25;
	[tilespmem:s21+$0xC2A0] =	vst v13;
	v12 =	vadd.f32 v12, v34  }
0x10c: {  	v45 =	vld [tilespmem:s21+$0x6D0];
	v59 =	vmul.f32 v52, v24;
	[tilespmem:s21+$0xC2C0] =	vst v32;
	v11 =	vadd.f32 v11, v38;
	v15 =	vadd.f32 v19, v15  }
0x10d: {  	v16 =	vadd.f32 v22, v16;
	v13 =	vmul.f32 v37, v24;
	v9 =	vadd.f32 v9, v43;
	[tilespmem:s21+$0xC2D0] =	vst v12  }
0x10e: {  	v61 =	vmul.f32 v56, v14;
	v62 =	vadd.f32 v60, v59;
	[tilespmem:s21+$0xC2E0] =	vst v11;
	v8 =	vadd.f32 v8, v15  }
0x10f: {  	v10 =	vadd.f32 v10, v16;
	v13 =	vadd.f32 v47, v13;
	v11 =	vmul.f32 v42, v24;
	[tilespmem:s21+$0xC680] =	vst v9  }
0x110: {  	v9 =	vmul.f32 v48, v24;
	v63 =	vadd.f32 v61, v62;
	[tilespmem:s21+$0xC690] =	vst v8;
	v8 =	vadd.f32 v51, v50  }
0x111: {  	v55 =	vmul.f32 v45, v24;
	[tilespmem:s21+$0xC2F0] =	vst v10;
	v7 =	vadd.f32 v7, v13;
	v11 =	vadd.f32 v54, v11  }
0x112: {  	v3 =	vmul.f32 v3, v14;
	v9 =	vadd.f32 v58, v9;
	[tilespmem:s21+$0xC6F0] =	vst v63;
	v6 =	vadd.f32 v6, v8  }
0x113: {  	v4 =	vmul.f32 v4, v14;
	[tilespmem:s21+$0xC6A0] =	vst v7;
	v7 =	vadd.f32 v57, v55;
	v5 =	vadd.f32 v5, v11  }
0x114: {  	v3 =	vadd.f32 v3, v9;
	[tilespmem:s21+$0xC6B0] =	vst v6  }
0x115: {  	s17 =	sadd.s32 $0x1, s17;
	v4 =	vadd.f32 v4, v7;
	[tilespmem:s21+$0xC6C0] =	vst v5  }
0x116: {  	s18 =	sshll.u32 s18, $0x5;
	p0 =	sne.s32 s17, $0x8;
	[tilespmem:s21+$0xC6E0] =	vst v3  }
.Ltmp1:
0x117: {  	s19 =	simm.s32 $0x0;
	s18 =	sadd.s32 s6, s18;
	[tilespmem:s21+$0xC6D0] =	vst v4;
	(pc) =	sbr.rel @p0 .LBB2_2-.Ltmp1, $4  }
0x118: {  	[hbm4b:s18+s19] =	stream.linear.scatter [tilespmem:s16], [sflag:$0x2], $0x4000, $0x38;
	[tilespmem:$0x10280] =	vst v63  }
0x119: {  	_ =	swait.ge [sflag:s11], $0x4000  }
0x11a: {  	[sflag:s11] =	ssyncset.done $0x0  }
0x11b: {  	[sflag:s11] =	ssyncadd.s32 $0xFFFFC000  }
0x11c: {  	s18 =	rddreg [dreg:$0x4]  }
0x11d: {  	s17 =	rddreg [dreg:$0x3];
	s18 =	sadd.s32 $0x1, s18  }
0x11e: {  	p0 =	sne.s32 s18, s17  }
.Ltmp2:
0x11f: {  	_ = 	snop;
	(pc) =	sbr.rel @p0 .LBB2_1-.Ltmp2, $1  }
0x120: {  	_ =	sdelay $0x3  }
0x121: {  	_ =	sfence.sel $0x180000  }
0x122: {  	[bflag:$0x0] =	sbarrier.arrive $0xFFFF  }
0x123: {  	_ =	strace $0x90000047  }
0x124: {  	s0 =	stileid.u32;
	[bflag:$0x2] =	sbarrier.arrive $0xFFFF  }
0x125: {  	p0 =	sne.s32 s0, $0x0;
	s0 =	rddreg [dreg:$0x2]  }
0x126: {  	s0 =	sadd.s32 @!p0 $0x100000, s0  }
0x127: {  	[sflag:s0] =	ssyncadd.tile.s32 @!p0 $0x1;
	_ =	shalt  }
.Lfunc_end2:
_tile_overlayer_lowered:
.L_overlay_start_2:
0x128: {  	(tag) =	ssettag $0x2  }
0x129: {  	s0 =	rddreg [dreg:$0x0];
	s2 =	stileid.u32  }
0x12a: {  	s1 =	rddreg [dreg:$0x1];
	p0 =	sne.s32 s2, $0x0  }
0x12b: {  	s3 =	rddreg [dreg:$0x2];
	[bflag:$0x3] =	sbarrier.arrive $0xFFFF;
	s2 =	simm.s32 @!p0 $0x1C02  }
0x12c: {  	[timem:s3], [sflag:s2] =	dma.local @!p0 [hbm:s0], s1  }
0x12d: {  	s0 =	simm.s32 @!p0 $0x2  }
0x12e: {  	_ =	swait.ge @!p0 [sflag:s0], s1  }
0x12f: {  	s1 =	ssub.s32 @!p0 $0x0, s1;
	[sflag:s0] =	ssyncset.done @!p0 $0x0  }
0x130: {  	[sflag:s0] =	ssyncadd.s32 @!p0 s1  }
0x131: {  	[bflag:$0x3] =	sbarrier.arrive $0xFFFF  }
0x132: {  	_ =	shalt  }

</sc_bundles>
